<compile_context>
chip_gen: v7x
topology: tpu7x:2x2x1
jax: 0.10.2.dev20260603
libtpu: 0.0.44.dev20260713+nightly
codegen_flags: <defaults>
</compile_context>

<pallas_src>
import functools

import jax
import jax.numpy as jnp
from jax import lax
from jax.experimental import pallas as pl
from jax.experimental.pallas import tpu as pltpu
from jax.experimental.pallas import tpu_sc as plsc

_VEC_LEN = 98304
_B = 16
_L = 16
_WIN = 6160
_WINP = 6208
_G = 64
_Q = 1536
_EPS = 1e-12
_MAGIC = 0x5F3759DF


def _sc_body(pred, target, ptr, nat, out,
             ptr_v, nat_v, pw, tw, res_v, all_v, shared,
             sem1, sem2, semp, semt):
    c = lax.axis_index("c")
    sid = lax.axis_index("s")

    @pl.when(c == 0)
    def _compute():
        cpp = pltpu.async_copy(ptr, ptr_v, sem1)
        cpn = pltpu.async_copy(nat, nat_v, sem2)
        cpp.wait()
        cpn.wait()
        lane = lax.iota(jnp.int32, _L)
        sidv = jnp.where(lane == 0, jnp.full((_L,), sid, jnp.int32), lane)
        p0 = ptr_v[...].at[sidv].get(mode="promise_in_bounds")[0]
        start = p0 * 3
        s_al = pl.multiple_of((start >> 4) << 4, _L)

        cps = []
        for q in range(4):
            e0 = q * _Q
            ln = (_WIN - e0) if q == 3 else _Q
            sq = pl.multiple_of(s_al + e0, _L)
            cps.append(pltpu.async_copy(pred.at[pl.ds(sq, ln)],
                                        pw.at[pl.ds(e0, ln)], semp.at[q]))
            cps.append(pltpu.async_copy(target.at[pl.ds(sq, ln)],
                                        tw.at[pl.ds(e0, ln)], semt.at[q]))

        n0 = nat_v[...].at[sidv].get(mode="promise_in_bounds")[0]
        length = n0 * 3
        off = start - s_al
        end = off + length

        zero = jnp.zeros((_L,), jnp.float32)
        hi4 = (end + (_G - 1)) // _G
        qg = _Q // _G

        gbase = pl.multiple_of(jnp.maximum(hi4 - 1, 0) * _G, _L)

        def zero_tail():
            for k in range(4):
                base = gbase + k * _L
                tm = (base + lane) >= end
                pw[pl.ds(base, _L)] = jnp.where(tm, 0.0, pw[pl.ds(base, _L)])
                tw[pl.ds(base, _L)] = jnp.where(tm, 0.0, tw[pl.ds(base, _L)])

        def body(g, carry):
            accs = list(carry)
            g0 = pl.multiple_of(g * _G, _L)
            for k in range(4):
                base = g0 + k * _L
                p = pw[pl.ds(base, _L)]
                t = tw[pl.ds(base, _L)]
                n, sa_, sb_ = accs[3 * k:3 * k + 3]
                accs[3 * k:3 * k + 3] = (n + p * t, sa_ + p * p, sb_ + t * t)
            return tuple(accs)

        accs = (zero,) * 12
        for q in range(4):
            lo = q * qg
            hiq = 97 if q == 3 else (q + 1) * qg
            cps[2 * q].wait()
            cps[2 * q + 1].wait()
            if q == 0:
                hm = lane < off
                pw[pl.ds(0, _L)] = jnp.where(hm, 0.0, pw[pl.ds(0, _L)])
                tw[pl.ds(0, _L)] = jnp.where(hm, 0.0, tw[pl.ds(0, _L)])
            pl.when((hi4 > lo) & (hi4 <= hiq))(zero_tail)
            accs = lax.fori_loop(lo, jnp.clip(hi4, lo, hiq), body, accs)
        num = (accs[0] + accs[3]) + (accs[6] + accs[9])
        saa = (accs[1] + accs[4]) + (accs[7] + accs[10])
        sbb = (accs[2] + accs[5]) + (accs[8] + accs[11])

        def lanesum(v):
            for sh in (8, 4, 2, 1):
                v = v + v.at[lane ^ sh].get(mode="promise_in_bounds")
            return v

        nsv = lanesum(num)
        sav = lanesum(saa) + jnp.float32(_EPS)
        sbv = lanesum(sbb) + jnp.float32(_EPS)

        d = sav[0] * sbv[0]
        i0 = lax.bitcast_convert_type(d, jnp.int32)
        i0 = _MAGIC - (i0 >> 1)
        y = lax.bitcast_convert_type(i0, jnp.float32)
        for _ in range(4):
            y = y * (1.5 - 0.5 * d * y * y)
        res_v[...] = jnp.full((_L,), nsv[0] * y * (1.0 / _B), jnp.float32)

        pltpu.sync_copy(res_v, shared.at[pl.ds(sid * _L, _L)])
        plsc.subcore_barrier()

        @pl.when(sid == 0)
        def _combine():
            pltpu.sync_copy(shared, all_v)
            acc = all_v[pl.ds(0, _L)]
            for i in range(1, _B):
                acc = acc + all_v[pl.ds(i * _L, _L)]
            res_v[...] = acc
            pltpu.sync_copy(res_v, out)


@jax.jit
def _sc_call(pred, target, ptr32, nat32):
    mesh = plsc.VectorSubcoreMesh(core_axis_name="c", subcore_axis_name="s", num_cores=1)
    f = functools.partial(
        pl.kernel,
        mesh=mesh,
        out_type=jax.ShapeDtypeStruct((_L,), jnp.float32),
        scratch_types=[
            pltpu.VMEM((_B,), jnp.int32),
            pltpu.VMEM((_B,), jnp.int32),
            pltpu.VMEM((_WINP,), jnp.float32),
            pltpu.VMEM((_WINP,), jnp.float32),
            pltpu.VMEM((_L,), jnp.float32),
            pltpu.VMEM((_B * _L,), jnp.float32),
            pltpu.VMEM_SHARED((_B * _L,), jnp.float32),
            pltpu.SemaphoreType.DMA,
            pltpu.SemaphoreType.DMA,
            pltpu.SemaphoreType.DMA((4,)),
            pltpu.SemaphoreType.DMA((4,)),
        ],
    )(_sc_body)
    return f(pred, target, ptr32, nat32)


def kernel(pred, target, ptr, natoms):
    out = _sc_call(pred, target,
                   ptr.astype(jnp.int32), natoms.astype(jnp.int32))
    return out[0]

# --- scband reference (transcript-rebuilt; emitter-appended) ---
"""Pipeline reference for scband-batch-vector-loss-35957466202206 (READ-ONLY COPY).

The authoritative reference and input builder live on the scoring server;
editing this copy changes nothing except your own understanding.
"""

import jax, jax.numpy as jnp
import numpy as np

TOTAL_ATOMS = 32768
B = 16
VEC_LEN = TOTAL_ATOMS * 3
MAX_SEG = 2048 * 3

def setup_inputs(seed: int = 0) -> dict:
    key = jax.random.key(seed)
    k1, k2, k3, k4 = jax.random.split(key, 4)
    pred = jax.random.normal(k1, (VEC_LEN,), dtype=jnp.float32)
    target = jax.random.normal(k2, (VEC_LEN,), dtype=jnp.float32)
    # ptr values in [0, TOTAL_ATOMS - 2048) and natoms in [0, 2048) so that
    # (ptr[b] + natoms[b]) * 3 <= VEC_LEN for every segment.
    ptr = jnp.sort(jax.random.randint(k3, (B,), 0, TOTAL_ATOMS - 2048, dtype=jnp.int64))
    natoms = jax.random.randint(k4, (B,), 0, 2048, dtype=jnp.int64)
    return {"pred": pred, "target": target, "ptr": ptr, "natoms": natoms}

def _cosine_similarity(a, b):
    eps = 1e-12
    num = jnp.sum(a * b)
    den = jnp.sqrt(jnp.sum(a * a) + eps) * jnp.sqrt(jnp.sum(b * b) + eps)
    return num / den

def reference(pred, target, ptr, natoms):
    # Faithful port of batch_similarity: per-batch variable-length slices of the
    # flattened (natoms*3,) vectors, loss_fn = cosine similarity, mean over batch.
    seg_idx = jnp.arange(MAX_SEG)

    def one_segment(p, n):
        s = p * 3
        length = n * 3
        a_b = jax.lax.dynamic_slice(pred, (s,), (MAX_SEG,))
        b_b = jax.lax.dynamic_slice(target, (s,), (MAX_SEG,))
        mask = (seg_idx < length).astype(pred.dtype)
        return _cosine_similarity(a_b * mask, b_b * mask)

    sims = jax.vmap(one_segment)(ptr, natoms)
    return sims.mean()

if __name__ == "__main__":
    import jax
    _d = setup_inputs()
    print(jax.jit(kernel)(*tuple(_d.values())))

</pallas_src>

<mosaic_0001>
#map = affine_map<(d0, d1) -> (0)>
module attributes {stable_mosaic.version = 14 : i64} {
  func.func @_sc_body(%arg0: i32, %arg1: i32, %arg2: memref<98304xf32, #tpu.memory_space<hbm>>, %arg3: memref<98304xf32, #tpu.memory_space<hbm>>, %arg4: memref<16xi32, #tpu.memory_space<hbm>>, %arg5: memref<16xi32, #tpu.memory_space<hbm>>, %arg6: memref<16xf32, #tpu.memory_space<hbm>>, %arg7: memref<16xi32, #tpu.memory_space<vmem>>, %arg8: memref<16xi32, #tpu.memory_space<vmem>>, %arg9: memref<6208xf32, #tpu.memory_space<vmem>>, %arg10: memref<6208xf32, #tpu.memory_space<vmem>>, %arg11: memref<16xf32, #tpu.memory_space<vmem>>, %arg12: memref<256xf32, #tpu.memory_space<vmem>>, %arg13: memref<256xf32, #tpu.memory_space<vmem_shared>>, %arg14: memref<!tpu.dma_semaphore, #tpu.memory_space<semaphore_mem>>, %arg15: memref<!tpu.dma_semaphore, #tpu.memory_space<semaphore_mem>>, %arg16: memref<4x!tpu.dma_semaphore, #tpu.memory_space<semaphore_mem>>, %arg17: memref<4x!tpu.dma_semaphore, #tpu.memory_space<semaphore_mem>>) attributes {dimension_semantics = [#tpu.dimension_semantics<core_parallel>, #tpu.dimension_semantics<subcore_parallel>], iteration_bounds = array<i64: 1, 16>, scalar_prefetch = 0 : i64, scratch_operands = 11 : i64, tpu.core_type = #tpu.core_type<sc_vector_subcore>, window_params = [{transform_indices = #map}, {transform_indices = #map}, {transform_indices = #map}, {transform_indices = #map}, {transform_indices = #map}]} {
    %eq3A = arith.constant 0 : i32
    %eq3A_0 = arith.cmpi eq, %arg0, %eq3A : i32
    %convert_element_type3A = arith.extui %eq3A_0 : i1 to i32
    %cond3A = arith.constant 0 : i32
    %cond3A_1 = arith.cmpi ne, %convert_element_type3A, %cond3A : i32
    scf.if %cond3A_1 {
      tpu.enqueue_dma source(%arg4 : memref<16xi32, #tpu.memory_space<hbm>>) target(%arg7 : memref<16xi32, #tpu.memory_space<vmem>>) target_semaphore(%arg14 : memref<!tpu.dma_semaphore, #tpu.memory_space<semaphore_mem>>)
      tpu.enqueue_dma source(%arg5 : memref<16xi32, #tpu.memory_space<hbm>>) target(%arg8 : memref<16xi32, #tpu.memory_space<vmem>>) target_semaphore(%arg15 : memref<!tpu.dma_semaphore, #tpu.memory_space<semaphore_mem>>)
      tpu.wait_dma2 semaphore(%arg14 : memref<!tpu.dma_semaphore, #tpu.memory_space<semaphore_mem>>) src(%arg4 : memref<16xi32, #tpu.memory_space<hbm>>) dst(%arg7 : memref<16xi32, #tpu.memory_space<vmem>>)
      tpu.wait_dma2 semaphore(%arg15 : memref<!tpu.dma_semaphore, #tpu.memory_space<semaphore_mem>>) src(%arg5 : memref<16xi32, #tpu.memory_space<hbm>>) dst(%arg8 : memref<16xi32, #tpu.memory_space<vmem>>)
      %iota3A = tpu.iota {dimensions = array<i32: 0>} : vector<16xi32>
      %eq3A_2 = arith.constant 0 : i32
      %eq3A_3 = vector.broadcast %eq3A_2 : i32 to vector<16xi32>
      %eq3A_4 = arith.cmpi eq, %iota3A, %eq3A_3 : vector<16xi32>
      %broadcast_in_dim3A = vector.broadcast %arg1 : i32 to vector<16xi32>
      %select_n3A = arith.select %eq3A_4, %broadcast_in_dim3A, %iota3A : vector<16xi1>, vector<16xi32>
      %get3A = arith.constant 0 : index
      %get3A_5 = tpu.vector_load %arg7[%get3A] {strides = array<i32>} : memref<16xi32, #tpu.memory_space<vmem>>, vector<16xi32>,
      %get3A_6 = vector.shape_cast %get3A_5 : vector<16xi32> to vector<16xi32>
      %lt3A = arith.constant 0 : i32
      %lt3A_7 = vector.broadcast %lt3A : i32 to vector<16xi32>
      %lt3A_8 = arith.cmpi slt, %select_n3A, %lt3A_7 : vector<16xi32>
      %add3A = arith.constant 16 : i32
      %add3A_9 = vector.broadcast %add3A : i32 to vector<16xi32>
      %add3A_10 = arith.addi %select_n3A, %add3A_9 : vector<16xi32>
      %select_n3A_11 = arith.select %lt3A_8, %add3A_10, %select_n3A : vector<16xi1>, vector<16xi32>
      %broadcast_in_dim3A_12 = vector.shape_cast %select_n3A_11 : vector<16xi32> to vector<16x1xi32>
      %gather3A = vector.shape_cast %broadcast_in_dim3A_12 : vector<16x1xi32> to vector<16xi32>
      %gather3A_13 = tpu.dynamic_gather %get3A_6[%gather3A] in [0] : vector<16xi32>, vector<16xi32> -> vector<16xi32>
      %slice3A = vector.extract_strided_slice %gather3A_13 {offsets = [0], sizes = [1], strides = [1]} : vector<16xi32> to vector<1xi32>
      %squeeze3A = vector.extract %slice3A[0] : i32 from vector<1xi32>
      %mul3A = arith.constant 3 : i32
      %mul3A_14 = arith.muli %squeeze3A, %mul3A : i32
      %shift_right_arithmetic3A = arith.constant 4 : i32
      %shift_right_arithmetic3A_15 = arith.shrsi %mul3A_14, %shift_right_arithmetic3A : i32
      %shift_left3A = arith.constant 4 : i32
      %shift_left3A_16 = arith.shli %shift_right_arithmetic3A_15, %shift_left3A : i32
      %multiple_of3A = tpu.assume_multiple %shift_left3A_16, 16 : i32
      %add3A_17 = arith.constant 0 : i32
      %add3A_18 = arith.addi %multiple_of3A, %add3A_17 : i32
      %multiple_of3A_19 = tpu.assume_multiple %add3A_18, 16 : i32
      %dma_start3A = arith.constant 0 : i32
      %dma_start3A_20 = arith.constant 0 : i32
      %dma_start3A_21 = tpu.memref_slice %arg9[%dma_start3A_20] : memref<6208xf32, #tpu.memory_space<vmem>> -> memref<1536xf32, #tpu.memory_space<vmem>>
      %dma_start3A_22 = tpu.memref_slice %arg2[%multiple_of3A_19] : memref<98304xf32, #tpu.memory_space<hbm>> -> memref<1536xf32, #tpu.memory_space<hbm>>
      %dma_start3A_23 = tpu.memref_slice %arg16[%dma_start3A] : memref<4x!tpu.dma_semaphore, #tpu.memory_space<semaphore_mem>> -> memref<1x!tpu.dma_semaphore, #tpu.memory_space<semaphore_mem>>
      %dma_start3A_24 = tpu.memref_squeeze %dma_start3A_23 : memref<1x!tpu.dma_semaphore, #tpu.memory_space<semaphore_mem>> -> memref<!tpu.dma_semaphore, #tpu.memory_space<semaphore_mem>>
      %dma_start3A_25 = arith.constant 0 : i32
      %dma_start3A_26 = tpu.memref_slice %arg9[%dma_start3A_25] : memref<6208xf32, #tpu.memory_space<vmem>> -> memref<1536xf32, #tpu.memory_space<vmem>>
      %dma_start3A_27 = tpu.memref_slice %arg2[%multiple_of3A_19] : memref<98304xf32, #tpu.memory_space<hbm>> -> memref<1536xf32, #tpu.memory_space<hbm>>
      tpu.enqueue_dma source(%dma_start3A_27 : memref<1536xf32, #tpu.memory_space<hbm>>) target(%dma_start3A_26 : memref<1536xf32, #tpu.memory_space<vmem>>) target_semaphore(%dma_start3A_24 : memref<!tpu.dma_semaphore, #tpu.memory_space<semaphore_mem>>)
      %dma_start3A_28 = arith.constant 0 : i32
      %dma_start3A_29 = arith.constant 0 : i32
      %dma_start3A_30 = tpu.memref_slice %arg10[%dma_start3A_29] : memref<6208xf32, #tpu.memory_space<vmem>> -> memref<1536xf32, #tpu.memory_space<vmem>>
      %dma_start3A_31 = tpu.memref_slice %arg3[%multiple_of3A_19] : memref<98304xf32, #tpu.memory_space<hbm>> -> memref<1536xf32, #tpu.memory_space<hbm>>
      %dma_start3A_32 = tpu.memref_slice %arg17[%dma_start3A_28] : memref<4x!tpu.dma_semaphore, #tpu.memory_space<semaphore_mem>> -> memref<1x!tpu.dma_semaphore, #tpu.memory_space<semaphore_mem>>
      %dma_start3A_33 = tpu.memref_squeeze %dma_start3A_32 : memref<1x!tpu.dma_semaphore, #tpu.memory_space<semaphore_mem>> -> memref<!tpu.dma_semaphore, #tpu.memory_space<semaphore_mem>>
      %dma_start3A_34 = arith.constant 0 : i32
      %dma_start3A_35 = tpu.memref_slice %arg10[%dma_start3A_34] : memref<6208xf32, #tpu.memory_space<vmem>> -> memref<1536xf32, #tpu.memory_space<vmem>>
      %dma_start3A_36 = tpu.memref_slice %arg3[%multiple_of3A_19] : memref<98304xf32, #tpu.memory_space<hbm>> -> memref<1536xf32, #tpu.memory_space<hbm>>
      tpu.enqueue_dma source(%dma_start3A_36 : memref<1536xf32, #tpu.memory_space<hbm>>) target(%dma_start3A_35 : memref<1536xf32, #tpu.memory_space<vmem>>) target_semaphore(%dma_start3A_33 : memref<!tpu.dma_semaphore, #tpu.memory_space<semaphore_mem>>)
      %add3A_37 = arith.constant 1536 : i32
      %add3A_38 = arith.addi %multiple_of3A, %add3A_37 : i32
      %multiple_of3A_39 = tpu.assume_multiple %add3A_38, 16 : i32
      %dma_start3A_40 = arith.constant 1 : i32
      %dma_start3A_41 = arith.constant 1536 : i32
      %dma_start3A_42 = tpu.memref_slice %arg9[%dma_start3A_41] : memref<6208xf32, #tpu.memory_space<vmem>> -> memref<1536xf32, #tpu.memory_space<vmem>>
      %dma_start3A_43 = tpu.memref_slice %arg2[%multiple_of3A_39] : memref<98304xf32, #tpu.memory_space<hbm>> -> memref<1536xf32, #tpu.memory_space<hbm>>
      %dma_start3A_44 = tpu.memref_slice %arg16[%dma_start3A_40] : memref<4x!tpu.dma_semaphore, #tpu.memory_space<semaphore_mem>> -> memref<1x!tpu.dma_semaphore, #tpu.memory_space<semaphore_mem>>
      %dma_start3A_45 = tpu.memref_squeeze %dma_start3A_44 : memref<1x!tpu.dma_semaphore, #tpu.memory_space<semaphore_mem>> -> memref<!tpu.dma_semaphore, #tpu.memory_space<semaphore_mem>>
      %dma_start3A_46 = arith.constant 1536 : i32
      %dma_start3A_47 = tpu.memref_slice %arg9[%dma_start3A_46] : memref<6208xf32, #tpu.memory_space<vmem>> -> memref<1536xf32, #tpu.memory_space<vmem>>
      %dma_start3A_48 = tpu.memref_slice %arg2[%multiple_of3A_39] : memref<98304xf32, #tpu.memory_space<hbm>> -> memref<1536xf32, #tpu.memory_space<hbm>>
      tpu.enqueue_dma source(%dma_start3A_48 : memref<1536xf32, #tpu.memory_space<hbm>>) target(%dma_start3A_47 : memref<1536xf32, #tpu.memory_space<vmem>>) target_semaphore(%dma_start3A_45 : memref<!tpu.dma_semaphore, #tpu.memory_space<semaphore_mem>>)
      %dma_start3A_49 = arith.constant 1 : i32
      %dma_start3A_50 = arith.constant 1536 : i32
      %dma_start3A_51 = tpu.memref_slice %arg10[%dma_start3A_50] : memref<6208xf32, #tpu.memory_space<vmem>> -> memref<1536xf32, #tpu.memory_space<vmem>>
      %dma_start3A_52 = tpu.memref_slice %arg3[%multiple_of3A_39] : memref<98304xf32, #tpu.memory_space<hbm>> -> memref<1536xf32, #tpu.memory_space<hbm>>
      %dma_start3A_53 = tpu.memref_slice %arg17[%dma_start3A_49] : memref<4x!tpu.dma_semaphore, #tpu.memory_space<semaphore_mem>> -> memref<1x!tpu.dma_semaphore, #tpu.memory_space<semaphore_mem>>
      %dma_start3A_54 = tpu.memref_squeeze %dma_start3A_53 : memref<1x!tpu.dma_semaphore, #tpu.memory_space<semaphore_mem>> -> memref<!tpu.dma_semaphore, #tpu.memory_space<semaphore_mem>>
      %dma_start3A_55 = arith.constant 1536 : i32
      %dma_start3A_56 = tpu.memref_slice %arg10[%dma_start3A_55] : memref<6208xf32, #tpu.memory_space<vmem>> -> memref<1536xf32, #tpu.memory_space<vmem>>
      %dma_start3A_57 = tpu.memref_slice %arg3[%multiple_of3A_39] : memref<98304xf32, #tpu.memory_space<hbm>> -> memref<1536xf32, #tpu.memory_space<hbm>>
      tpu.enqueue_dma source(%dma_start3A_57 : memref<1536xf32, #tpu.memory_space<hbm>>) target(%dma_start3A_56 : memref<1536xf32, #tpu.memory_space<vmem>>) target_semaphore(%dma_start3A_54 : memref<!tpu.dma_semaphore, #tpu.memory_space<semaphore_mem>>)
      %add3A_58 = arith.constant 3072 : i32
      %add3A_59 = arith.addi %multiple_of3A, %add3A_58 : i32
      %multiple_of3A_60 = tpu.assume_multiple %add3A_59, 16 : i32
      %dma_start3A_61 = arith.constant 2 : i32
      %dma_start3A_62 = arith.constant 3072 : i32
      %dma_start3A_63 = tpu.memref_slice %arg9[%dma_start3A_62] : memref<6208xf32, #tpu.memory_space<vmem>> -> memref<1536xf32, #tpu.memory_space<vmem>>
      %dma_start3A_64 = tpu.memref_slice %arg2[%multiple_of3A_60] : memref<98304xf32, #tpu.memory_space<hbm>> -> memref<1536xf32, #tpu.memory_space<hbm>>
      %dma_start3A_65 = tpu.memref_slice %arg16[%dma_start3A_61] : memref<4x!tpu.dma_semaphore, #tpu.memory_space<semaphore_mem>> -> memref<1x!tpu.dma_semaphore, #tpu.memory_space<semaphore_mem>>
      %dma_start3A_66 = tpu.memref_squeeze %dma_start3A_65 : memref<1x!tpu.dma_semaphore, #tpu.memory_space<semaphore_mem>> -> memref<!tpu.dma_semaphore, #tpu.memory_space<semaphore_mem>>
      %dma_start3A_67 = arith.constant 3072 : i32
      %dma_start3A_68 = tpu.memref_slice %arg9[%dma_start3A_67] : memref<6208xf32, #tpu.memory_space<vmem>> -> memref<1536xf32, #tpu.memory_space<vmem>>
      %dma_start3A_69 = tpu.memref_slice %arg2[%multiple_of3A_60] : memref<98304xf32, #tpu.memory_space<hbm>> -> memref<1536xf32, #tpu.memory_space<hbm>>
      tpu.enqueue_dma source(%dma_start3A_69 : memref<1536xf32, #tpu.memory_space<hbm>>) target(%dma_start3A_68 : memref<1536xf32, #tpu.memory_space<vmem>>) target_semaphore(%dma_start3A_66 : memref<!tpu.dma_semaphore, #tpu.memory_space<semaphore_mem>>)
      %dma_start3A_70 = arith.constant 2 : i32
      %dma_start3A_71 = arith.constant 3072 : i32
      %dma_start3A_72 = tpu.memref_slice %arg10[%dma_start3A_71] : memref<6208xf32, #tpu.memory_space<vmem>> -> memref<1536xf32, #tpu.memory_space<vmem>>
      %dma_start3A_73 = tpu.memref_slice %arg3[%multiple_of3A_60] : memref<98304xf32, #tpu.memory_space<hbm>> -> memref<1536xf32, #tpu.memory_space<hbm>>
      %dma_start3A_74 = tpu.memref_slice %arg17[%dma_start3A_70] : memref<4x!tpu.dma_semaphore, #tpu.memory_space<semaphore_mem>> -> memref<1x!tpu.dma_semaphore, #tpu.memory_space<semaphore_mem>>
      %dma_start3A_75 = tpu.memref_squeeze %dma_start3A_74 : memref<1x!tpu.dma_semaphore, #tpu.memory_space<semaphore_mem>> -> memref<!tpu.dma_semaphore, #tpu.memory_space<semaphore_mem>>
      %dma_start3A_76 = arith.constant 3072 : i32
      %dma_start3A_77 = tpu.memref_slice %arg10[%dma_start3A_76] : memref<6208xf32, #tpu.memory_space<vmem>> -> memref<1536xf32, #tpu.memory_space<vmem>>
      %dma_start3A_78 = tpu.memref_slice %arg3[%multiple_of3A_60] : memref<98304xf32, #tpu.memory_space<hbm>> -> memref<1536xf32, #tpu.memory_space<hbm>>
      tpu.enqueue_dma source(%dma_start3A_78 : memref<1536xf32, #tpu.memory_space<hbm>>) target(%dma_start3A_77 : memref<1536xf32, #tpu.memory_space<vmem>>) target_semaphore(%dma_start3A_75 : memref<!tpu.dma_semaphore, #tpu.memory_space<semaphore_mem>>)
      %add3A_79 = arith.constant 4608 : i32
      %add3A_80 = arith.addi %multiple_of3A, %add3A_79 : i32
      %multiple_of3A_81 = tpu.assume_multiple %add3A_80, 16 : i32
      %dma_start3A_82 = arith.constant 3 : i32
      %dma_start3A_83 = arith.constant 4608 : i32
      %dma_start3A_84 = tpu.memref_slice %arg9[%dma_start3A_83] : memref<6208xf32, #tpu.memory_space<vmem>> -> memref<1552xf32, #tpu.memory_space<vmem>>
      %dma_start3A_85 = tpu.memref_slice %arg2[%multiple_of3A_81] : memref<98304xf32, #tpu.memory_space<hbm>> -> memref<1552xf32, #tpu.memory_space<hbm>>
      %dma_start3A_86 = tpu.memref_slice %arg16[%dma_start3A_82] : memref<4x!tpu.dma_semaphore, #tpu.memory_space<semaphore_mem>> -> memref<1x!tpu.dma_semaphore, #tpu.memory_space<semaphore_mem>>
      %dma_start3A_87 = tpu.memref_squeeze %dma_start3A_86 : memref<1x!tpu.dma_semaphore, #tpu.memory_space<semaphore_mem>> -> memref<!tpu.dma_semaphore, #tpu.memory_space<semaphore_mem>>
      %dma_start3A_88 = arith.constant 4608 : i32
      %dma_start3A_89 = tpu.memref_slice %arg9[%dma_start3A_88] : memref<6208xf32, #tpu.memory_space<vmem>> -> memref<1552xf32, #tpu.memory_space<vmem>>
      %dma_start3A_90 = tpu.memref_slice %arg2[%multiple_of3A_81] : memref<98304xf32, #tpu.memory_space<hbm>> -> memref<1552xf32, #tpu.memory_space<hbm>>
      tpu.enqueue_dma source(%dma_start3A_90 : memref<1552xf32, #tpu.memory_space<hbm>>) target(%dma_start3A_89 : memref<1552xf32, #tpu.memory_space<vmem>>) target_semaphore(%dma_start3A_87 : memref<!tpu.dma_semaphore, #tpu.memory_space<semaphore_mem>>)
      %dma_start3A_91 = arith.constant 3 : i32
      %dma_start3A_92 = arith.constant 4608 : i32
      %dma_start3A_93 = tpu.memref_slice %arg10[%dma_start3A_92] : memref<6208xf32, #tpu.memory_space<vmem>> -> memref<1552xf32, #tpu.memory_space<vmem>>
      %dma_start3A_94 = tpu.memref_slice %arg3[%multiple_of3A_81] : memref<98304xf32, #tpu.memory_space<hbm>> -> memref<1552xf32, #tpu.memory_space<hbm>>
      %dma_start3A_95 = tpu.memref_slice %arg17[%dma_start3A_91] : memref<4x!tpu.dma_semaphore, #tpu.memory_space<semaphore_mem>> -> memref<1x!tpu.dma_semaphore, #tpu.memory_space<semaphore_mem>>
      %dma_start3A_96 = tpu.memref_squeeze %dma_start3A_95 : memref<1x!tpu.dma_semaphore, #tpu.memory_space<semaphore_mem>> -> memref<!tpu.dma_semaphore, #tpu.memory_space<semaphore_mem>>
      %dma_start3A_97 = arith.constant 4608 : i32
      %dma_start3A_98 = tpu.memref_slice %arg10[%dma_start3A_97] : memref<6208xf32, #tpu.memory_space<vmem>> -> memref<1552xf32, #tpu.memory_space<vmem>>
      %dma_start3A_99 = tpu.memref_slice %arg3[%multiple_of3A_81] : memref<98304xf32, #tpu.memory_space<hbm>> -> memref<1552xf32, #tpu.memory_space<hbm>>
      tpu.enqueue_dma source(%dma_start3A_99 : memref<1552xf32, #tpu.memory_space<hbm>>) target(%dma_start3A_98 : memref<1552xf32, #tpu.memory_space<vmem>>) target_semaphore(%dma_start3A_96 : memref<!tpu.dma_semaphore, #tpu.memory_space<semaphore_mem>>)
      %get3A_100 = arith.constant 0 : index
      %get3A_101 = tpu.vector_load %arg8[%get3A_100] {strides = array<i32>} : memref<16xi32, #tpu.memory_space<vmem>>, vector<16xi32>,
      %get3A_102 = vector.shape_cast %get3A_101 : vector<16xi32> to vector<16xi32>
      %lt3A_103 = arith.constant 0 : i32
      %lt3A_104 = vector.broadcast %lt3A_103 : i32 to vector<16xi32>
      %lt3A_105 = arith.cmpi slt, %select_n3A, %lt3A_104 : vector<16xi32>
      %add3A_106 = arith.constant 16 : i32
      %add3A_107 = vector.broadcast %add3A_106 : i32 to vector<16xi32>
      %add3A_108 = arith.addi %select_n3A, %add3A_107 : vector<16xi32>
      %select_n3A_109 = arith.select %lt3A_105, %add3A_108, %select_n3A : vector<16xi1>, vector<16xi32>
      %broadcast_in_dim3A_110 = vector.shape_cast %select_n3A_109 : vector<16xi32> to vector<16x1xi32>
      %gather3A_111 = vector.shape_cast %broadcast_in_dim3A_110 : vector<16x1xi32> to vector<16xi32>
      %gather3A_112 = tpu.dynamic_gather %get3A_102[%gather3A_111] in [0] : vector<16xi32>, vector<16xi32> -> vector<16xi32>
      %slice3A_113 = vector.extract_strided_slice %gather3A_112 {offsets = [0], sizes = [1], strides = [1]} : vector<16xi32> to vector<1xi32>
      %squeeze3A_114 = vector.extract %slice3A_113[0] : i32 from vector<1xi32>
      %mul3A_115 = arith.constant 3 : i32
      %mul3A_116 = arith.muli %squeeze3A_114, %mul3A_115 : i32
      %sub3A = arith.subi %mul3A_14, %multiple_of3A : i32
      %add3A_117 = arith.addi %sub3A, %mul3A_116 : i32
      %broadcast_in_dim3A_118 = arith.constant 0.000000e+00 : f32
      %broadcast_in_dim3A_119 = vector.broadcast %broadcast_in_dim3A_118 : f32 to vector<16xf32>
      %add3A_120 = arith.constant 63 : i32
      %add3A_121 = arith.addi %add3A_117, %add3A_120 : i32
      %jit3A = arith.constant 64 : i32
      %div3A = arith.divsi %add3A_121, %jit3A : i32
      %sign3A = arith.constant 0 : i32
      %sign3A_122 = arith.cmpi sgt, %add3A_121, %sign3A : i32
      %sign3A_123 = arith.extui %sign3A_122 : i1 to i32
      %sign3A_124 = arith.constant 0 : i32
      %sign3A_125 = arith.cmpi slt, %add3A_121, %sign3A_124 : i32
      %sign3A_126 = arith.extui %sign3A_125 : i1 to i32
      %sign3A_127 = arith.subi %sign3A_123, %sign3A_126 : i32
      %sign3A_128 = arith.constant 0 : i32
      %sign3A_129 = arith.cmpi sgt, %jit3A, %sign3A_128 : i32
      %sign3A_130 = arith.extui %sign3A_129 : i1 to i32
      %sign3A_131 = arith.constant 0 : i32
      %sign3A_132 = arith.cmpi slt, %jit3A, %sign3A_131 : i32
      %sign3A_133 = arith.extui %sign3A_132 : i1 to i32
      %sign3A_134 = arith.subi %sign3A_130, %sign3A_133 : i32
      %ne3A = arith.cmpi ne, %sign3A_127, %sign3A_134 : i32
      %rem3A = arith.remsi %add3A_121, %jit3A : i32
      %ne3A_135 = arith.constant 0 : i32
      %ne3A_136 = arith.cmpi ne, %rem3A, %ne3A_135 : i32
      %and3A = arith.andi %ne3A, %ne3A_136 : i1
      %sub3A_137 = arith.constant 1 : i32
      %sub3A_138 = arith.subi %div3A, %sub3A_137 : i32
      %select_n3A_139 = arith.select %and3A, %sub3A_138, %div3A : i32
      %sub3A_140 = arith.constant 1 : i32
      %sub3A_141 = arith.subi %select_n3A_139, %sub3A_140 : i32
      %max3A = arith.constant 0 : i32
      %max3A_142 = arith.maxsi %sub3A_141, %max3A : i32
      %mul3A_143 = arith.constant 64 : i32
      %mul3A_144 = arith.muli %max3A_142, %mul3A_143 : i32
      %multiple_of3A_145 = tpu.assume_multiple %mul3A_144, 16 : i32
      %dma_wait3A = arith.constant 0 : i32
      %dma_wait3A_146 = arith.constant 0 : i32
      %dma_wait3A_147 = tpu.memref_slice %arg9[%dma_wait3A_146] : memref<6208xf32, #tpu.memory_space<vmem>> -> memref<1536xf32, #tpu.memory_space<vmem>>
      %dma_wait3A_148 = tpu.memref_slice %arg2[%multiple_of3A_19] : memref<98304xf32, #tpu.memory_space<hbm>> -> memref<1536xf32, #tpu.memory_space<hbm>>
      %dma_wait3A_149 = tpu.memref_slice %arg16[%dma_wait3A] : memref<4x!tpu.dma_semaphore, #tpu.memory_space<semaphore_mem>> -> memref<1x!tpu.dma_semaphore, #tpu.memory_space<semaphore_mem>>
      %dma_wait3A_150 = tpu.memref_squeeze %dma_wait3A_149 : memref<1x!tpu.dma_semaphore, #tpu.memory_space<semaphore_mem>> -> memref<!tpu.dma_semaphore, #tpu.memory_space<semaphore_mem>>
      %dma_wait3A_151 = arith.constant 0 : i32
      %dma_wait3A_152 = tpu.memref_slice %arg9[%dma_wait3A_151] : memref<6208xf32, #tpu.memory_space<vmem>> -> memref<1536xf32, #tpu.memory_space<vmem>>
      %dma_wait3A_153 = tpu.memref_slice %arg2[%multiple_of3A_19] : memref<98304xf32, #tpu.memory_space<hbm>> -> memref<1536xf32, #tpu.memory_space<hbm>>
      tpu.wait_dma2 semaphore(%dma_wait3A_150 : memref<!tpu.dma_semaphore, #tpu.memory_space<semaphore_mem>>) src(%dma_wait3A_153 : memref<1536xf32, #tpu.memory_space<hbm>>) dst(%dma_wait3A_152 : memref<1536xf32, #tpu.memory_space<vmem>>)
      %dma_wait3A_154 = arith.constant 0 : i32
      %dma_wait3A_155 = arith.constant 0 : i32
      %dma_wait3A_156 = tpu.memref_slice %arg10[%dma_wait3A_155] : memref<6208xf32, #tpu.memory_space<vmem>> -> memref<1536xf32, #tpu.memory_space<vmem>>
      %dma_wait3A_157 = tpu.memref_slice %arg3[%multiple_of3A_19] : memref<98304xf32, #tpu.memory_space<hbm>> -> memref<1536xf32, #tpu.memory_space<hbm>>
      %dma_wait3A_158 = tpu.memref_slice %arg17[%dma_wait3A_154] : memref<4x!tpu.dma_semaphore, #tpu.memory_space<semaphore_mem>> -> memref<1x!tpu.dma_semaphore, #tpu.memory_space<semaphore_mem>>
      %dma_wait3A_159 = tpu.memref_squeeze %dma_wait3A_158 : memref<1x!tpu.dma_semaphore, #tpu.memory_space<semaphore_mem>> -> memref<!tpu.dma_semaphore, #tpu.memory_space<semaphore_mem>>
      %dma_wait3A_160 = arith.constant 0 : i32
      %dma_wait3A_161 = tpu.memref_slice %arg10[%dma_wait3A_160] : memref<6208xf32, #tpu.memory_space<vmem>> -> memref<1536xf32, #tpu.memory_space<vmem>>
      %dma_wait3A_162 = tpu.memref_slice %arg3[%multiple_of3A_19] : memref<98304xf32, #tpu.memory_space<hbm>> -> memref<1536xf32, #tpu.memory_space<hbm>>
      tpu.wait_dma2 semaphore(%dma_wait3A_159 : memref<!tpu.dma_semaphore, #tpu.memory_space<semaphore_mem>>) src(%dma_wait3A_162 : memref<1536xf32, #tpu.memory_space<hbm>>) dst(%dma_wait3A_161 : memref<1536xf32, #tpu.memory_space<vmem>>)
      %lt3A_163 = vector.broadcast %sub3A : i32 to vector<16xi32>
      %lt3A_164 = arith.cmpi slt, %iota3A, %lt3A_163 : vector<16xi32>
      %get3A_165 = arith.constant 0 : index
      %get3A_166 = tpu.vector_load %arg9[%get3A_165] {strides = array<i32>} : memref<6208xf32, #tpu.memory_space<vmem>>, vector<16xf32>,
      %get3A_167 = vector.shape_cast %get3A_166 : vector<16xf32> to vector<16xf32>
      %jit3A_168 = arith.constant 0.000000e+00 : f32
      %broadcast_in_dim3A_169 = vector.broadcast %jit3A_168 : f32 to vector<16xf32>
      %select_n3A_170 = arith.select %lt3A_164, %broadcast_in_dim3A_169, %get3A_167 : vector<16xi1>, vector<16xf32>
      %swap3A = arith.constant 0 : index
      %swap3A_171 = tpu.vector_load %arg9[%swap3A] {strides = array<i32>} : memref<6208xf32, #tpu.memory_space<vmem>>, vector<16xf32>,
      %swap3A_172 = vector.shape_cast %swap3A_171 : vector<16xf32> to vector<16xf32>
      %swap3A_173 = vector.shape_cast %select_n3A_170 : vector<16xf32> to vector<16xf32>
      tpu.vector_store %arg9[%swap3A], %swap3A_173 {strides = array<i32>} : memref<6208xf32, #tpu.memory_space<vmem>>, vector<16xf32>,
      %get3A_174 = arith.constant 0 : index
      %get3A_175 = tpu.vector_load %arg10[%get3A_174] {strides = array<i32>} : memref<6208xf32, #tpu.memory_space<vmem>>, vector<16xf32>,
      %get3A_176 = vector.shape_cast %get3A_175 : vector<16xf32> to vector<16xf32>
      %jit3A_177 = arith.constant 0.000000e+00 : f32
      %broadcast_in_dim3A_178 = vector.broadcast %jit3A_177 : f32 to vector<16xf32>
      %select_n3A_179 = arith.select %lt3A_164, %broadcast_in_dim3A_178, %get3A_176 : vector<16xi1>, vector<16xf32>
      %swap3A_180 = arith.constant 0 : index
      %swap3A_181 = tpu.vector_load %arg10[%swap3A_180] {strides = array<i32>} : memref<6208xf32, #tpu.memory_space<vmem>>, vector<16xf32>,
      %swap3A_182 = vector.shape_cast %swap3A_181 : vector<16xf32> to vector<16xf32>
      %swap3A_183 = vector.shape_cast %select_n3A_179 : vector<16xf32> to vector<16xf32>
      tpu.vector_store %arg10[%swap3A_180], %swap3A_183 {strides = array<i32>} : memref<6208xf32, #tpu.memory_space<vmem>>, vector<16xf32>,
      %gt3A = arith.constant 0 : i32
      %gt3A_184 = arith.cmpi sgt, %select_n3A_139, %gt3A : i32
      %le3A = arith.constant 24 : i32
      %le3A_185 = arith.cmpi sle, %select_n3A_139, %le3A : i32
      %and3A_186 = arith.andi %gt3A_184, %le3A_185 : i1
      %convert_element_type3A_187 = arith.extui %and3A_186 : i1 to i32
      %cond3A_188 = arith.constant 0 : i32
      %cond3A_189 = arith.cmpi ne, %convert_element_type3A_187, %cond3A_188 : i32
      scf.if %cond3A_189 {
        %add3A_563 = arith.constant 0 : i32
        %add3A_564 = arith.addi %multiple_of3A_145, %add3A_563 : i32
        %add3A_565 = vector.broadcast %add3A_564 : i32 to vector<16xi32>
        %add3A_566 = arith.addi %add3A_565, %iota3A : vector<16xi32>
        %ge3A = vector.broadcast %add3A_117 : i32 to vector<16xi32>
        %ge3A_567 = arith.cmpi sge, %add3A_566, %ge3A : vector<16xi32>
        %get3A_568 = arith.index_cast %add3A_564 : i32 to index
        %get3A_569 = tpu.vector_load %arg9[%get3A_568] {strides = array<i32>} : memref<6208xf32, #tpu.memory_space<vmem>>, vector<16xf32>,
        %get3A_570 = vector.shape_cast %get3A_569 : vector<16xf32> to vector<16xf32>
        %jit3A_571 = arith.constant 0.000000e+00 : f32
        %broadcast_in_dim3A_572 = vector.broadcast %jit3A_571 : f32 to vector<16xf32>
        %select_n3A_573 = arith.select %ge3A_567, %broadcast_in_dim3A_572, %get3A_570 : vector<16xi1>, vector<16xf32>
        %swap3A_574 = arith.index_cast %add3A_564 : i32 to index
        %swap3A_575 = tpu.vector_load %arg9[%swap3A_574] {strides = array<i32>} : memref<6208xf32, #tpu.memory_space<vmem>>, vector<16xf32>,
        %swap3A_576 = vector.shape_cast %swap3A_575 : vector<16xf32> to vector<16xf32>
        %swap3A_577 = vector.shape_cast %select_n3A_573 : vector<16xf32> to vector<16xf32>
        tpu.vector_store %arg9[%swap3A_574], %swap3A_577 {strides = array<i32>} : memref<6208xf32, #tpu.memory_space<vmem>>, vector<16xf32>,
        %get3A_578 = arith.index_cast %add3A_564 : i32 to index
        %get3A_579 = tpu.vector_load %arg10[%get3A_578] {strides = array<i32>} : memref<6208xf32, #tpu.memory_space<vmem>>, vector<16xf32>,
        %get3A_580 = vector.shape_cast %get3A_579 : vector<16xf32> to vector<16xf32>
        %jit3A_581 = arith.constant 0.000000e+00 : f32
        %broadcast_in_dim3A_582 = vector.broadcast %jit3A_581 : f32 to vector<16xf32>
        %select_n3A_583 = arith.select %ge3A_567, %broadcast_in_dim3A_582, %get3A_580 : vector<16xi1>, vector<16xf32>
        %swap3A_584 = arith.index_cast %add3A_564 : i32 to index
        %swap3A_585 = tpu.vector_load %arg10[%swap3A_584] {strides = array<i32>} : memref<6208xf32, #tpu.memory_space<vmem>>, vector<16xf32>,
        %swap3A_586 = vector.shape_cast %swap3A_585 : vector<16xf32> to vector<16xf32>
        %swap3A_587 = vector.shape_cast %select_n3A_583 : vector<16xf32> to vector<16xf32>
        tpu.vector_store %arg10[%swap3A_584], %swap3A_587 {strides = array<i32>} : memref<6208xf32, #tpu.memory_space<vmem>>, vector<16xf32>,
        %add3A_588 = arith.constant 16 : i32
        %add3A_589 = arith.addi %multiple_of3A_145, %add3A_588 : i32
        %add3A_590 = vector.broadcast %add3A_589 : i32 to vector<16xi32>
        %add3A_591 = arith.addi %add3A_590, %iota3A : vector<16xi32>
        %ge3A_592 = vector.broadcast %add3A_117 : i32 to vector<16xi32>
        %ge3A_593 = arith.cmpi sge, %add3A_591, %ge3A_592 : vector<16xi32>
        %get3A_594 = arith.index_cast %add3A_589 : i32 to index
        %get3A_595 = tpu.vector_load %arg9[%get3A_594] {strides = array<i32>} : memref<6208xf32, #tpu.memory_space<vmem>>, vector<16xf32>,
        %get3A_596 = vector.shape_cast %get3A_595 : vector<16xf32> to vector<16xf32>
        %jit3A_597 = arith.constant 0.000000e+00 : f32
        %broadcast_in_dim3A_598 = vector.broadcast %jit3A_597 : f32 to vector<16xf32>
        %select_n3A_599 = arith.select %ge3A_593, %broadcast_in_dim3A_598, %get3A_596 : vector<16xi1>, vector<16xf32>
        %swap3A_600 = arith.index_cast %add3A_589 : i32 to index
        %swap3A_601 = tpu.vector_load %arg9[%swap3A_600] {strides = array<i32>} : memref<6208xf32, #tpu.memory_space<vmem>>, vector<16xf32>,
        %swap3A_602 = vector.shape_cast %swap3A_601 : vector<16xf32> to vector<16xf32>
        %swap3A_603 = vector.shape_cast %select_n3A_599 : vector<16xf32> to vector<16xf32>
        tpu.vector_store %arg9[%swap3A_600], %swap3A_603 {strides = array<i32>} : memref<6208xf32, #tpu.memory_space<vmem>>, vector<16xf32>,
        %get3A_604 = arith.index_cast %add3A_589 : i32 to index
        %get3A_605 = tpu.vector_load %arg10[%get3A_604] {strides = array<i32>} : memref<6208xf32, #tpu.memory_space<vmem>>, vector<16xf32>,
        %get3A_606 = vector.shape_cast %get3A_605 : vector<16xf32> to vector<16xf32>
        %jit3A_607 = arith.constant 0.000000e+00 : f32
        %broadcast_in_dim3A_608 = vector.broadcast %jit3A_607 : f32 to vector<16xf32>
        %select_n3A_609 = arith.select %ge3A_593, %broadcast_in_dim3A_608, %get3A_606 : vector<16xi1>, vector<16xf32>
        %swap3A_610 = arith.index_cast %add3A_589 : i32 to index
        %swap3A_611 = tpu.vector_load %arg10[%swap3A_610] {strides = array<i32>} : memref<6208xf32, #tpu.memory_space<vmem>>, vector<16xf32>,
        %swap3A_612 = vector.shape_cast %swap3A_611 : vector<16xf32> to vector<16xf32>
        %swap3A_613 = vector.shape_cast %select_n3A_609 : vector<16xf32> to vector<16xf32>
        tpu.vector_store %arg10[%swap3A_610], %swap3A_613 {strides = array<i32>} : memref<6208xf32, #tpu.memory_space<vmem>>, vector<16xf32>,
        %add3A_614 = arith.constant 32 : i32
        %add3A_615 = arith.addi %multiple_of3A_145, %add3A_614 : i32
        %add3A_616 = vector.broadcast %add3A_615 : i32 to vector<16xi32>
        %add3A_617 = arith.addi %add3A_616, %iota3A : vector<16xi32>
        %ge3A_618 = vector.broadcast %add3A_117 : i32 to vector<16xi32>
        %ge3A_619 = arith.cmpi sge, %add3A_617, %ge3A_618 : vector<16xi32>
        %get3A_620 = arith.index_cast %add3A_615 : i32 to index
        %get3A_621 = tpu.vector_load %arg9[%get3A_620] {strides = array<i32>} : memref<6208xf32, #tpu.memory_space<vmem>>, vector<16xf32>,
        %get3A_622 = vector.shape_cast %get3A_621 : vector<16xf32> to vector<16xf32>
        %jit3A_623 = arith.constant 0.000000e+00 : f32
        %broadcast_in_dim3A_624 = vector.broadcast %jit3A_623 : f32 to vector<16xf32>
        %select_n3A_625 = arith.select %ge3A_619, %broadcast_in_dim3A_624, %get3A_622 : vector<16xi1>, vector<16xf32>
        %swap3A_626 = arith.index_cast %add3A_615 : i32 to index
        %swap3A_627 = tpu.vector_load %arg9[%swap3A_626] {strides = array<i32>} : memref<6208xf32, #tpu.memory_space<vmem>>, vector<16xf32>,
        %swap3A_628 = vector.shape_cast %swap3A_627 : vector<16xf32> to vector<16xf32>
        %swap3A_629 = vector.shape_cast %select_n3A_625 : vector<16xf32> to vector<16xf32>
        tpu.vector_store %arg9[%swap3A_626], %swap3A_629 {strides = array<i32>} : memref<6208xf32, #tpu.memory_space<vmem>>, vector<16xf32>,
        %get3A_630 = arith.index_cast %add3A_615 : i32 to index
        %get3A_631 = tpu.vector_load %arg10[%get3A_630] {strides = array<i32>} : memref<6208xf32, #tpu.memory_space<vmem>>, vector<16xf32>,
        %get3A_632 = vector.shape_cast %get3A_631 : vector<16xf32> to vector<16xf32>
        %jit3A_633 = arith.constant 0.000000e+00 : f32
        %broadcast_in_dim3A_634 = vector.broadcast %jit3A_633 : f32 to vector<16xf32>
        %select_n3A_635 = arith.select %ge3A_619, %broadcast_in_dim3A_634, %get3A_632 : vector<16xi1>, vector<16xf32>
        %swap3A_636 = arith.index_cast %add3A_615 : i32 to index
        %swap3A_637 = tpu.vector_load %arg10[%swap3A_636] {strides = array<i32>} : memref<6208xf32, #tpu.memory_space<vmem>>, vector<16xf32>,
        %swap3A_638 = vector.shape_cast %swap3A_637 : vector<16xf32> to vector<16xf32>
        %swap3A_639 = vector.shape_cast %select_n3A_635 : vector<16xf32> to vector<16xf32>
        tpu.vector_store %arg10[%swap3A_636], %swap3A_639 {strides = array<i32>} : memref<6208xf32, #tpu.memory_space<vmem>>, vector<16xf32>,
        %add3A_640 = arith.constant 48 : i32
        %add3A_641 = arith.addi %multiple_of3A_145, %add3A_640 : i32
        %add3A_642 = vector.broadcast %add3A_641 : i32 to vector<16xi32>
        %add3A_643 = arith.addi %add3A_642, %iota3A : vector<16xi32>
        %ge3A_644 = vector.broadcast %add3A_117 : i32 to vector<16xi32>
        %ge3A_645 = arith.cmpi sge, %add3A_643, %ge3A_644 : vector<16xi32>
        %get3A_646 = arith.index_cast %add3A_641 : i32 to index
        %get3A_647 = tpu.vector_load %arg9[%get3A_646] {strides = array<i32>} : memref<6208xf32, #tpu.memory_space<vmem>>, vector<16xf32>,
        %get3A_648 = vector.shape_cast %get3A_647 : vector<16xf32> to vector<16xf32>
        %jit3A_649 = arith.constant 0.000000e+00 : f32
        %broadcast_in_dim3A_650 = vector.broadcast %jit3A_649 : f32 to vector<16xf32>
        %select_n3A_651 = arith.select %ge3A_645, %broadcast_in_dim3A_650, %get3A_648 : vector<16xi1>, vector<16xf32>
        %swap3A_652 = arith.index_cast %add3A_641 : i32 to index
        %swap3A_653 = tpu.vector_load %arg9[%swap3A_652] {strides = array<i32>} : memref<6208xf32, #tpu.memory_space<vmem>>, vector<16xf32>,
        %swap3A_654 = vector.shape_cast %swap3A_653 : vector<16xf32> to vector<16xf32>
        %swap3A_655 = vector.shape_cast %select_n3A_651 : vector<16xf32> to vector<16xf32>
        tpu.vector_store %arg9[%swap3A_652], %swap3A_655 {strides = array<i32>} : memref<6208xf32, #tpu.memory_space<vmem>>, vector<16xf32>,
        %get3A_656 = arith.index_cast %add3A_641 : i32 to index
        %get3A_657 = tpu.vector_load %arg10[%get3A_656] {strides = array<i32>} : memref<6208xf32, #tpu.memory_space<vmem>>, vector<16xf32>,
        %get3A_658 = vector.shape_cast %get3A_657 : vector<16xf32> to vector<16xf32>
        %jit3A_659 = arith.constant 0.000000e+00 : f32
        %broadcast_in_dim3A_660 = vector.broadcast %jit3A_659 : f32 to vector<16xf32>
        %select_n3A_661 = arith.select %ge3A_645, %broadcast_in_dim3A_660, %get3A_658 : vector<16xi1>, vector<16xf32>
        %swap3A_662 = arith.index_cast %add3A_641 : i32 to index
        %swap3A_663 = tpu.vector_load %arg10[%swap3A_662] {strides = array<i32>} : memref<6208xf32, #tpu.memory_space<vmem>>, vector<16xf32>,
        %swap3A_664 = vector.shape_cast %swap3A_663 : vector<16xf32> to vector<16xf32>
        %swap3A_665 = vector.shape_cast %select_n3A_661 : vector<16xf32> to vector<16xf32>
        tpu.vector_store %arg10[%swap3A_662], %swap3A_665 {strides = array<i32>} : memref<6208xf32, #tpu.memory_space<vmem>>, vector<16xf32>,
      } else {
      }
      %jit3A_190 = arith.constant 0 : i32
      %jit3A_191 = arith.constant 24 : i32
      %max3A_192 = arith.maxsi %jit3A_190, %select_n3A_139 : i32
      %min3A = arith.minsi %jit3A_191, %max3A_192 : i32
      %while3A = arith.constant 0 : i32
      %while3A_193 = arith.subi %min3A, %while3A : i32
      %while3A_194 = arith.addi %while3A, %while3A_193 : i32
      %while3A_195 = arith.constant 1 : i32
      %while3A_196 = arith.divsi %while3A_193, %while3A_195 : i32
      %while3A_197 = arith.muli %while3A_196, %while3A_195 : i32
      %while3A_198 = arith.addi %while3A, %while3A_197 : i32
      %while3A_199 = arith.constant 1 : i32
      %while3A_200:12 = scf.for %while3A_563 = %while3A to %while3A_198 step %while3A_199 iter_args(%while3A_564 = %broadcast_in_dim3A_119, %while3A_565 = %broadcast_in_dim3A_119, %while3A_566 = %broadcast_in_dim3A_119, %while3A_567 = %broadcast_in_dim3A_119, %while3A_568 = %broadcast_in_dim3A_119, %while3A_569 = %broadcast_in_dim3A_119, %while3A_570 = %broadcast_in_dim3A_119, %while3A_571 = %broadcast_in_dim3A_119, %while3A_572 = %broadcast_in_dim3A_119, %while3A_573 = %broadcast_in_dim3A_119, %while3A_574 = %broadcast_in_dim3A_119, %while3A_575 = %broadcast_in_dim3A_119) -> (vector<16xf32>, vector<16xf32>, vector<16xf32>, vector<16xf32>, vector<16xf32>, vector<16xf32>, vector<16xf32>, vector<16xf32>, vector<16xf32>, vector<16xf32>, vector<16xf32>, vector<16xf32>)  : i32 {
        %mul3A_576 = arith.constant 64 : i32
        %mul3A_577 = arith.muli %while3A_563, %mul3A_576 : i32
        %multiple_of3A_578 = tpu.assume_multiple %mul3A_577, 16 : i32
        %add3A_579 = arith.constant 0 : i32
        %add3A_580 = arith.addi %multiple_of3A_578, %add3A_579 : i32
        %get3A_581 = arith.index_cast %add3A_580 : i32 to index
        %get3A_582 = tpu.vector_load %arg9[%get3A_581] {strides = array<i32>} : memref<6208xf32, #tpu.memory_space<vmem>>, vector<16xf32>,
        %get3A_583 = vector.shape_cast %get3A_582 : vector<16xf32> to vector<16xf32>
        %get3A_584 = arith.index_cast %add3A_580 : i32 to index
        %get3A_585 = tpu.vector_load %arg10[%get3A_584] {strides = array<i32>} : memref<6208xf32, #tpu.memory_space<vmem>>, vector<16xf32>,
        %get3A_586 = vector.shape_cast %get3A_585 : vector<16xf32> to vector<16xf32>
        %mul3A_587 = arith.mulf %get3A_583, %get3A_586 : vector<16xf32>
        %add3A_588 = arith.addf %while3A_564, %mul3A_587 : vector<16xf32>
        %mul3A_589 = arith.mulf %get3A_583, %get3A_583 : vector<16xf32>
        %add3A_590 = arith.addf %while3A_565, %mul3A_589 : vector<16xf32>
        %mul3A_591 = arith.mulf %get3A_586, %get3A_586 : vector<16xf32>
        %add3A_592 = arith.addf %while3A_566, %mul3A_591 : vector<16xf32>
        %add3A_593 = arith.constant 16 : i32
        %add3A_594 = arith.addi %multiple_of3A_578, %add3A_593 : i32
        %get3A_595 = arith.index_cast %add3A_594 : i32 to index
        %get3A_596 = tpu.vector_load %arg9[%get3A_595] {strides = array<i32>} : memref<6208xf32, #tpu.memory_space<vmem>>, vector<16xf32>,
        %get3A_597 = vector.shape_cast %get3A_596 : vector<16xf32> to vector<16xf32>
        %get3A_598 = arith.index_cast %add3A_594 : i32 to index
        %get3A_599 = tpu.vector_load %arg10[%get3A_598] {strides = array<i32>} : memref<6208xf32, #tpu.memory_space<vmem>>, vector<16xf32>,
        %get3A_600 = vector.shape_cast %get3A_599 : vector<16xf32> to vector<16xf32>
        %mul3A_601 = arith.mulf %get3A_597, %get3A_600 : vector<16xf32>
        %add3A_602 = arith.addf %while3A_567, %mul3A_601 : vector<16xf32>
        %mul3A_603 = arith.mulf %get3A_597, %get3A_597 : vector<16xf32>
        %add3A_604 = arith.addf %while3A_568, %mul3A_603 : vector<16xf32>
        %mul3A_605 = arith.mulf %get3A_600, %get3A_600 : vector<16xf32>
        %add3A_606 = arith.addf %while3A_569, %mul3A_605 : vector<16xf32>
        %add3A_607 = arith.constant 32 : i32
        %add3A_608 = arith.addi %multiple_of3A_578, %add3A_607 : i32
        %get3A_609 = arith.index_cast %add3A_608 : i32 to index
        %get3A_610 = tpu.vector_load %arg9[%get3A_609] {strides = array<i32>} : memref<6208xf32, #tpu.memory_space<vmem>>, vector<16xf32>,
        %get3A_611 = vector.shape_cast %get3A_610 : vector<16xf32> to vector<16xf32>
        %get3A_612 = arith.index_cast %add3A_608 : i32 to index
        %get3A_613 = tpu.vector_load %arg10[%get3A_612] {strides = array<i32>} : memref<6208xf32, #tpu.memory_space<vmem>>, vector<16xf32>,
        %get3A_614 = vector.shape_cast %get3A_613 : vector<16xf32> to vector<16xf32>
        %mul3A_615 = arith.mulf %get3A_611, %get3A_614 : vector<16xf32>
        %add3A_616 = arith.addf %while3A_570, %mul3A_615 : vector<16xf32>
        %mul3A_617 = arith.mulf %get3A_611, %get3A_611 : vector<16xf32>
        %add3A_618 = arith.addf %while3A_571, %mul3A_617 : vector<16xf32>
        %mul3A_619 = arith.mulf %get3A_614, %get3A_614 : vector<16xf32>
        %add3A_620 = arith.addf %while3A_572, %mul3A_619 : vector<16xf32>
        %add3A_621 = arith.constant 48 : i32
        %add3A_622 = arith.addi %multiple_of3A_578, %add3A_621 : i32
        %get3A_623 = arith.index_cast %add3A_622 : i32 to index
        %get3A_624 = tpu.vector_load %arg9[%get3A_623] {strides = array<i32>} : memref<6208xf32, #tpu.memory_space<vmem>>, vector<16xf32>,
        %get3A_625 = vector.shape_cast %get3A_624 : vector<16xf32> to vector<16xf32>
        %get3A_626 = arith.index_cast %add3A_622 : i32 to index
        %get3A_627 = tpu.vector_load %arg10[%get3A_626] {strides = array<i32>} : memref<6208xf32, #tpu.memory_space<vmem>>, vector<16xf32>,
        %get3A_628 = vector.shape_cast %get3A_627 : vector<16xf32> to vector<16xf32>
        %mul3A_629 = arith.mulf %get3A_625, %get3A_628 : vector<16xf32>
        %add3A_630 = arith.addf %while3A_573, %mul3A_629 : vector<16xf32>
        %mul3A_631 = arith.mulf %get3A_625, %get3A_625 : vector<16xf32>
        %add3A_632 = arith.addf %while3A_574, %mul3A_631 : vector<16xf32>
        %mul3A_633 = arith.mulf %get3A_628, %get3A_628 : vector<16xf32>
        %add3A_634 = arith.addf %while3A_575, %mul3A_633 : vector<16xf32>
        scf.yield %add3A_588, %add3A_590, %add3A_592, %add3A_602, %add3A_604, %add3A_606, %add3A_616, %add3A_618, %add3A_620, %add3A_630, %add3A_632, %add3A_634 : vector<16xf32>, vector<16xf32>, vector<16xf32>, vector<16xf32>, vector<16xf32>, vector<16xf32>, vector<16xf32>, vector<16xf32>, vector<16xf32>, vector<16xf32>, vector<16xf32>, vector<16xf32>
      }
      %while3A_201 = arith.constant 1 : i32
      %while3A_202:12 = scf.for %while3A_563 = %while3A_198 to %while3A_194 step %while3A_201 iter_args(%while3A_564 = %while3A_200#0, %while3A_565 = %while3A_200#1, %while3A_566 = %while3A_200#2, %while3A_567 = %while3A_200#3, %while3A_568 = %while3A_200#4, %while3A_569 = %while3A_200#5, %while3A_570 = %while3A_200#6, %while3A_571 = %while3A_200#7, %while3A_572 = %while3A_200#8, %while3A_573 = %while3A_200#9, %while3A_574 = %while3A_200#10, %while3A_575 = %while3A_200#11) -> (vector<16xf32>, vector<16xf32>, vector<16xf32>, vector<16xf32>, vector<16xf32>, vector<16xf32>, vector<16xf32>, vector<16xf32>, vector<16xf32>, vector<16xf32>, vector<16xf32>, vector<16xf32>)  : i32 {
        %mul3A_576 = arith.constant 64 : i32
        %mul3A_577 = arith.muli %while3A_563, %mul3A_576 : i32
        %multiple_of3A_578 = tpu.assume_multiple %mul3A_577, 16 : i32
        %add3A_579 = arith.constant 0 : i32
        %add3A_580 = arith.addi %multiple_of3A_578, %add3A_579 : i32
        %get3A_581 = arith.index_cast %add3A_580 : i32 to index
        %get3A_582 = tpu.vector_load %arg9[%get3A_581] {strides = array<i32>} : memref<6208xf32, #tpu.memory_space<vmem>>, vector<16xf32>,
        %get3A_583 = vector.shape_cast %get3A_582 : vector<16xf32> to vector<16xf32>
        %get3A_584 = arith.index_cast %add3A_580 : i32 to index
        %get3A_585 = tpu.vector_load %arg10[%get3A_584] {strides = array<i32>} : memref<6208xf32, #tpu.memory_space<vmem>>, vector<16xf32>,
        %get3A_586 = vector.shape_cast %get3A_585 : vector<16xf32> to vector<16xf32>
        %mul3A_587 = arith.mulf %get3A_583, %get3A_586 : vector<16xf32>
        %add3A_588 = arith.addf %while3A_564, %mul3A_587 : vector<16xf32>
        %mul3A_589 = arith.mulf %get3A_583, %get3A_583 : vector<16xf32>
        %add3A_590 = arith.addf %while3A_565, %mul3A_589 : vector<16xf32>
        %mul3A_591 = arith.mulf %get3A_586, %get3A_586 : vector<16xf32>
        %add3A_592 = arith.addf %while3A_566, %mul3A_591 : vector<16xf32>
        %add3A_593 = arith.constant 16 : i32
        %add3A_594 = arith.addi %multiple_of3A_578, %add3A_593 : i32
        %get3A_595 = arith.index_cast %add3A_594 : i32 to index
        %get3A_596 = tpu.vector_load %arg9[%get3A_595] {strides = array<i32>} : memref<6208xf32, #tpu.memory_space<vmem>>, vector<16xf32>,
        %get3A_597 = vector.shape_cast %get3A_596 : vector<16xf32> to vector<16xf32>
        %get3A_598 = arith.index_cast %add3A_594 : i32 to index
        %get3A_599 = tpu.vector_load %arg10[%get3A_598] {strides = array<i32>} : memref<6208xf32, #tpu.memory_space<vmem>>, vector<16xf32>,
        %get3A_600 = vector.shape_cast %get3A_599 : vector<16xf32> to vector<16xf32>
        %mul3A_601 = arith.mulf %get3A_597, %get3A_600 : vector<16xf32>
        %add3A_602 = arith.addf %while3A_567, %mul3A_601 : vector<16xf32>
        %mul3A_603 = arith.mulf %get3A_597, %get3A_597 : vector<16xf32>
        %add3A_604 = arith.addf %while3A_568, %mul3A_603 : vector<16xf32>
        %mul3A_605 = arith.mulf %get3A_600, %get3A_600 : vector<16xf32>
        %add3A_606 = arith.addf %while3A_569, %mul3A_605 : vector<16xf32>
        %add3A_607 = arith.constant 32 : i32
        %add3A_608 = arith.addi %multiple_of3A_578, %add3A_607 : i32
        %get3A_609 = arith.index_cast %add3A_608 : i32 to index
        %get3A_610 = tpu.vector_load %arg9[%get3A_609] {strides = array<i32>} : memref<6208xf32, #tpu.memory_space<vmem>>, vector<16xf32>,
        %get3A_611 = vector.shape_cast %get3A_610 : vector<16xf32> to vector<16xf32>
        %get3A_612 = arith.index_cast %add3A_608 : i32 to index
        %get3A_613 = tpu.vector_load %arg10[%get3A_612] {strides = array<i32>} : memref<6208xf32, #tpu.memory_space<vmem>>, vector<16xf32>,
        %get3A_614 = vector.shape_cast %get3A_613 : vector<16xf32> to vector<16xf32>
        %mul3A_615 = arith.mulf %get3A_611, %get3A_614 : vector<16xf32>
        %add3A_616 = arith.addf %while3A_570, %mul3A_615 : vector<16xf32>
        %mul3A_617 = arith.mulf %get3A_611, %get3A_611 : vector<16xf32>
        %add3A_618 = arith.addf %while3A_571, %mul3A_617 : vector<16xf32>
        %mul3A_619 = arith.mulf %get3A_614, %get3A_614 : vector<16xf32>
        %add3A_620 = arith.addf %while3A_572, %mul3A_619 : vector<16xf32>
        %add3A_621 = arith.constant 48 : i32
        %add3A_622 = arith.addi %multiple_of3A_578, %add3A_621 : i32
        %get3A_623 = arith.index_cast %add3A_622 : i32 to index
        %get3A_624 = tpu.vector_load %arg9[%get3A_623] {strides = array<i32>} : memref<6208xf32, #tpu.memory_space<vmem>>, vector<16xf32>,
        %get3A_625 = vector.shape_cast %get3A_624 : vector<16xf32> to vector<16xf32>
        %get3A_626 = arith.index_cast %add3A_622 : i32 to index
        %get3A_627 = tpu.vector_load %arg10[%get3A_626] {strides = array<i32>} : memref<6208xf32, #tpu.memory_space<vmem>>, vector<16xf32>,
        %get3A_628 = vector.shape_cast %get3A_627 : vector<16xf32> to vector<16xf32>
        %mul3A_629 = arith.mulf %get3A_625, %get3A_628 : vector<16xf32>
        %add3A_630 = arith.addf %while3A_573, %mul3A_629 : vector<16xf32>
        %mul3A_631 = arith.mulf %get3A_625, %get3A_625 : vector<16xf32>
        %add3A_632 = arith.addf %while3A_574, %mul3A_631 : vector<16xf32>
        %mul3A_633 = arith.mulf %get3A_628, %get3A_628 : vector<16xf32>
        %add3A_634 = arith.addf %while3A_575, %mul3A_633 : vector<16xf32>
        scf.yield %add3A_588, %add3A_590, %add3A_592, %add3A_602, %add3A_604, %add3A_606, %add3A_616, %add3A_618, %add3A_620, %add3A_630, %add3A_632, %add3A_634 : vector<16xf32>, vector<16xf32>, vector<16xf32>, vector<16xf32>, vector<16xf32>, vector<16xf32>, vector<16xf32>, vector<16xf32>, vector<16xf32>, vector<16xf32>, vector<16xf32>, vector<16xf32>
      }
      %dma_wait3A_203 = arith.constant 1 : i32
      %dma_wait3A_204 = arith.constant 1536 : i32
      %dma_wait3A_205 = tpu.memref_slice %arg9[%dma_wait3A_204] : memref<6208xf32, #tpu.memory_space<vmem>> -> memref<1536xf32, #tpu.memory_space<vmem>>
      %dma_wait3A_206 = tpu.memref_slice %arg2[%multiple_of3A_39] : memref<98304xf32, #tpu.memory_space<hbm>> -> memref<1536xf32, #tpu.memory_space<hbm>>
      %dma_wait3A_207 = tpu.memref_slice %arg16[%dma_wait3A_203] : memref<4x!tpu.dma_semaphore, #tpu.memory_space<semaphore_mem>> -> memref<1x!tpu.dma_semaphore, #tpu.memory_space<semaphore_mem>>
      %dma_wait3A_208 = tpu.memref_squeeze %dma_wait3A_207 : memref<1x!tpu.dma_semaphore, #tpu.memory_space<semaphore_mem>> -> memref<!tpu.dma_semaphore, #tpu.memory_space<semaphore_mem>>
      %dma_wait3A_209 = arith.constant 1536 : i32
      %dma_wait3A_210 = tpu.memref_slice %arg9[%dma_wait3A_209] : memref<6208xf32, #tpu.memory_space<vmem>> -> memref<1536xf32, #tpu.memory_space<vmem>>
      %dma_wait3A_211 = tpu.memref_slice %arg2[%multiple_of3A_39] : memref<98304xf32, #tpu.memory_space<hbm>> -> memref<1536xf32, #tpu.memory_space<hbm>>
      tpu.wait_dma2 semaphore(%dma_wait3A_208 : memref<!tpu.dma_semaphore, #tpu.memory_space<semaphore_mem>>) src(%dma_wait3A_211 : memref<1536xf32, #tpu.memory_space<hbm>>) dst(%dma_wait3A_210 : memref<1536xf32, #tpu.memory_space<vmem>>)
      %dma_wait3A_212 = arith.constant 1 : i32
      %dma_wait3A_213 = arith.constant 1536 : i32
      %dma_wait3A_214 = tpu.memref_slice %arg10[%dma_wait3A_213] : memref<6208xf32, #tpu.memory_space<vmem>> -> memref<1536xf32, #tpu.memory_space<vmem>>
      %dma_wait3A_215 = tpu.memref_slice %arg3[%multiple_of3A_39] : memref<98304xf32, #tpu.memory_space<hbm>> -> memref<1536xf32, #tpu.memory_space<hbm>>
      %dma_wait3A_216 = tpu.memref_slice %arg17[%dma_wait3A_212] : memref<4x!tpu.dma_semaphore, #tpu.memory_space<semaphore_mem>> -> memref<1x!tpu.dma_semaphore, #tpu.memory_space<semaphore_mem>>
      %dma_wait3A_217 = tpu.memref_squeeze %dma_wait3A_216 : memref<1x!tpu.dma_semaphore, #tpu.memory_space<semaphore_mem>> -> memref<!tpu.dma_semaphore, #tpu.memory_space<semaphore_mem>>
      %dma_wait3A_218 = arith.constant 1536 : i32
      %dma_wait3A_219 = tpu.memref_slice %arg10[%dma_wait3A_218] : memref<6208xf32, #tpu.memory_space<vmem>> -> memref<1536xf32, #tpu.memory_space<vmem>>
      %dma_wait3A_220 = tpu.memref_slice %arg3[%multiple_of3A_39] : memref<98304xf32, #tpu.memory_space<hbm>> -> memref<1536xf32, #tpu.memory_space<hbm>>
      tpu.wait_dma2 semaphore(%dma_wait3A_217 : memref<!tpu.dma_semaphore, #tpu.memory_space<semaphore_mem>>) src(%dma_wait3A_220 : memref<1536xf32, #tpu.memory_space<hbm>>) dst(%dma_wait3A_219 : memref<1536xf32, #tpu.memory_space<vmem>>)
      %gt3A_221 = arith.constant 24 : i32
      %gt3A_222 = arith.cmpi sgt, %select_n3A_139, %gt3A_221 : i32
      %le3A_223 = arith.constant 48 : i32
      %le3A_224 = arith.cmpi sle, %select_n3A_139, %le3A_223 : i32
      %and3A_225 = arith.andi %gt3A_222, %le3A_224 : i1
      %convert_element_type3A_226 = arith.extui %and3A_225 : i1 to i32
      %cond3A_227 = arith.constant 0 : i32
      %cond3A_228 = arith.cmpi ne, %convert_element_type3A_226, %cond3A_227 : i32
      scf.if %cond3A_228 {
        %add3A_563 = arith.constant 0 : i32
        %add3A_564 = arith.addi %multiple_of3A_145, %add3A_563 : i32
        %add3A_565 = vector.broadcast %add3A_564 : i32 to vector<16xi32>
        %add3A_566 = arith.addi %add3A_565, %iota3A : vector<16xi32>
        %ge3A = vector.broadcast %add3A_117 : i32 to vector<16xi32>
        %ge3A_567 = arith.cmpi sge, %add3A_566, %ge3A : vector<16xi32>
        %get3A_568 = arith.index_cast %add3A_564 : i32 to index
        %get3A_569 = tpu.vector_load %arg9[%get3A_568] {strides = array<i32>} : memref<6208xf32, #tpu.memory_space<vmem>>, vector<16xf32>,
        %get3A_570 = vector.shape_cast %get3A_569 : vector<16xf32> to vector<16xf32>
        %jit3A_571 = arith.constant 0.000000e+00 : f32
        %broadcast_in_dim3A_572 = vector.broadcast %jit3A_571 : f32 to vector<16xf32>
        %select_n3A_573 = arith.select %ge3A_567, %broadcast_in_dim3A_572, %get3A_570 : vector<16xi1>, vector<16xf32>
        %swap3A_574 = arith.index_cast %add3A_564 : i32 to index
        %swap3A_575 = tpu.vector_load %arg9[%swap3A_574] {strides = array<i32>} : memref<6208xf32, #tpu.memory_space<vmem>>, vector<16xf32>,
        %swap3A_576 = vector.shape_cast %swap3A_575 : vector<16xf32> to vector<16xf32>
        %swap3A_577 = vector.shape_cast %select_n3A_573 : vector<16xf32> to vector<16xf32>
        tpu.vector_store %arg9[%swap3A_574], %swap3A_577 {strides = array<i32>} : memref<6208xf32, #tpu.memory_space<vmem>>, vector<16xf32>,
        %get3A_578 = arith.index_cast %add3A_564 : i32 to index
        %get3A_579 = tpu.vector_load %arg10[%get3A_578] {strides = array<i32>} : memref<6208xf32, #tpu.memory_space<vmem>>, vector<16xf32>,
        %get3A_580 = vector.shape_cast %get3A_579 : vector<16xf32> to vector<16xf32>
        %jit3A_581 = arith.constant 0.000000e+00 : f32
        %broadcast_in_dim3A_582 = vector.broadcast %jit3A_581 : f32 to vector<16xf32>
        %select_n3A_583 = arith.select %ge3A_567, %broadcast_in_dim3A_582, %get3A_580 : vector<16xi1>, vector<16xf32>
        %swap3A_584 = arith.index_cast %add3A_564 : i32 to index
        %swap3A_585 = tpu.vector_load %arg10[%swap3A_584] {strides = array<i32>} : memref<6208xf32, #tpu.memory_space<vmem>>, vector<16xf32>,
        %swap3A_586 = vector.shape_cast %swap3A_585 : vector<16xf32> to vector<16xf32>
        %swap3A_587 = vector.shape_cast %select_n3A_583 : vector<16xf32> to vector<16xf32>
        tpu.vector_store %arg10[%swap3A_584], %swap3A_587 {strides = array<i32>} : memref<6208xf32, #tpu.memory_space<vmem>>, vector<16xf32>,
        %add3A_588 = arith.constant 16 : i32
        %add3A_589 = arith.addi %multiple_of3A_145, %add3A_588 : i32
        %add3A_590 = vector.broadcast %add3A_589 : i32 to vector<16xi32>
        %add3A_591 = arith.addi %add3A_590, %iota3A : vector<16xi32>
        %ge3A_592 = vector.broadcast %add3A_117 : i32 to vector<16xi32>
        %ge3A_593 = arith.cmpi sge, %add3A_591, %ge3A_592 : vector<16xi32>
        %get3A_594 = arith.index_cast %add3A_589 : i32 to index
        %get3A_595 = tpu.vector_load %arg9[%get3A_594] {strides = array<i32>} : memref<6208xf32, #tpu.memory_space<vmem>>, vector<16xf32>,
        %get3A_596 = vector.shape_cast %get3A_595 : vector<16xf32> to vector<16xf32>
        %jit3A_597 = arith.constant 0.000000e+00 : f32
        %broadcast_in_dim3A_598 = vector.broadcast %jit3A_597 : f32 to vector<16xf32>
        %select_n3A_599 = arith.select %ge3A_593, %broadcast_in_dim3A_598, %get3A_596 : vector<16xi1>, vector<16xf32>
        %swap3A_600 = arith.index_cast %add3A_589 : i32 to index
        %swap3A_601 = tpu.vector_load %arg9[%swap3A_600] {strides = array<i32>} : memref<6208xf32, #tpu.memory_space<vmem>>, vector<16xf32>,
        %swap3A_602 = vector.shape_cast %swap3A_601 : vector<16xf32> to vector<16xf32>
        %swap3A_603 = vector.shape_cast %select_n3A_599 : vector<16xf32> to vector<16xf32>
        tpu.vector_store %arg9[%swap3A_600], %swap3A_603 {strides = array<i32>} : memref<6208xf32, #tpu.memory_space<vmem>>, vector<16xf32>,
        %get3A_604 = arith.index_cast %add3A_589 : i32 to index
        %get3A_605 = tpu.vector_load %arg10[%get3A_604] {strides = array<i32>} : memref<6208xf32, #tpu.memory_space<vmem>>, vector<16xf32>,
        %get3A_606 = vector.shape_cast %get3A_605 : vector<16xf32> to vector<16xf32>
        %jit3A_607 = arith.constant 0.000000e+00 : f32
        %broadcast_in_dim3A_608 = vector.broadcast %jit3A_607 : f32 to vector<16xf32>
        %select_n3A_609 = arith.select %ge3A_593, %broadcast_in_dim3A_608, %get3A_606 : vector<16xi1>, vector<16xf32>
        %swap3A_610 = arith.index_cast %add3A_589 : i32 to index
        %swap3A_611 = tpu.vector_load %arg10[%swap3A_610] {strides = array<i32>} : memref<6208xf32, #tpu.memory_space<vmem>>, vector<16xf32>,
        %swap3A_612 = vector.shape_cast %swap3A_611 : vector<16xf32> to vector<16xf32>
        %swap3A_613 = vector.shape_cast %select_n3A_609 : vector<16xf32> to vector<16xf32>
        tpu.vector_store %arg10[%swap3A_610], %swap3A_613 {strides = array<i32>} : memref<6208xf32, #tpu.memory_space<vmem>>, vector<16xf32>,
        %add3A_614 = arith.constant 32 : i32
        %add3A_615 = arith.addi %multiple_of3A_145, %add3A_614 : i32
        %add3A_616 = vector.broadcast %add3A_615 : i32 to vector<16xi32>
        %add3A_617 = arith.addi %add3A_616, %iota3A : vector<16xi32>
        %ge3A_618 = vector.broadcast %add3A_117 : i32 to vector<16xi32>
        %ge3A_619 = arith.cmpi sge, %add3A_617, %ge3A_618 : vector<16xi32>
        %get3A_620 = arith.index_cast %add3A_615 : i32 to index
        %get3A_621 = tpu.vector_load %arg9[%get3A_620] {strides = array<i32>} : memref<6208xf32, #tpu.memory_space<vmem>>, vector<16xf32>,
        %get3A_622 = vector.shape_cast %get3A_621 : vector<16xf32> to vector<16xf32>
        %jit3A_623 = arith.constant 0.000000e+00 : f32
        %broadcast_in_dim3A_624 = vector.broadcast %jit3A_623 : f32 to vector<16xf32>
        %select_n3A_625 = arith.select %ge3A_619, %broadcast_in_dim3A_624, %get3A_622 : vector<16xi1>, vector<16xf32>
        %swap3A_626 = arith.index_cast %add3A_615 : i32 to index
        %swap3A_627 = tpu.vector_load %arg9[%swap3A_626] {strides = array<i32>} : memref<6208xf32, #tpu.memory_space<vmem>>, vector<16xf32>,
        %swap3A_628 = vector.shape_cast %swap3A_627 : vector<16xf32> to vector<16xf32>
        %swap3A_629 = vector.shape_cast %select_n3A_625 : vector<16xf32> to vector<16xf32>
        tpu.vector_store %arg9[%swap3A_626], %swap3A_629 {strides = array<i32>} : memref<6208xf32, #tpu.memory_space<vmem>>, vector<16xf32>,
        %get3A_630 = arith.index_cast %add3A_615 : i32 to index
        %get3A_631 = tpu.vector_load %arg10[%get3A_630] {strides = array<i32>} : memref<6208xf32, #tpu.memory_space<vmem>>, vector<16xf32>,
        %get3A_632 = vector.shape_cast %get3A_631 : vector<16xf32> to vector<16xf32>
        %jit3A_633 = arith.constant 0.000000e+00 : f32
        %broadcast_in_dim3A_634 = vector.broadcast %jit3A_633 : f32 to vector<16xf32>
        %select_n3A_635 = arith.select %ge3A_619, %broadcast_in_dim3A_634, %get3A_632 : vector<16xi1>, vector<16xf32>
        %swap3A_636 = arith.index_cast %add3A_615 : i32 to index
        %swap3A_637 = tpu.vector_load %arg10[%swap3A_636] {strides = array<i32>} : memref<6208xf32, #tpu.memory_space<vmem>>, vector<16xf32>,
        %swap3A_638 = vector.shape_cast %swap3A_637 : vector<16xf32> to vector<16xf32>
        %swap3A_639 = vector.shape_cast %select_n3A_635 : vector<16xf32> to vector<16xf32>
        tpu.vector_store %arg10[%swap3A_636], %swap3A_639 {strides = array<i32>} : memref<6208xf32, #tpu.memory_space<vmem>>, vector<16xf32>,
        %add3A_640 = arith.constant 48 : i32
        %add3A_641 = arith.addi %multiple_of3A_145, %add3A_640 : i32
        %add3A_642 = vector.broadcast %add3A_641 : i32 to vector<16xi32>
        %add3A_643 = arith.addi %add3A_642, %iota3A : vector<16xi32>
        %ge3A_644 = vector.broadcast %add3A_117 : i32 to vector<16xi32>
        %ge3A_645 = arith.cmpi sge, %add3A_643, %ge3A_644 : vector<16xi32>
        %get3A_646 = arith.index_cast %add3A_641 : i32 to index
        %get3A_647 = tpu.vector_load %arg9[%get3A_646] {strides = array<i32>} : memref<6208xf32, #tpu.memory_space<vmem>>, vector<16xf32>,
        %get3A_648 = vector.shape_cast %get3A_647 : vector<16xf32> to vector<16xf32>
        %jit3A_649 = arith.constant 0.000000e+00 : f32
        %broadcast_in_dim3A_650 = vector.broadcast %jit3A_649 : f32 to vector<16xf32>
        %select_n3A_651 = arith.select %ge3A_645, %broadcast_in_dim3A_650, %get3A_648 : vector<16xi1>, vector<16xf32>
        %swap3A_652 = arith.index_cast %add3A_641 : i32 to index
        %swap3A_653 = tpu.vector_load %arg9[%swap3A_652] {strides = array<i32>} : memref<6208xf32, #tpu.memory_space<vmem>>, vector<16xf32>,
        %swap3A_654 = vector.shape_cast %swap3A_653 : vector<16xf32> to vector<16xf32>
        %swap3A_655 = vector.shape_cast %select_n3A_651 : vector<16xf32> to vector<16xf32>
        tpu.vector_store %arg9[%swap3A_652], %swap3A_655 {strides = array<i32>} : memref<6208xf32, #tpu.memory_space<vmem>>, vector<16xf32>,
        %get3A_656 = arith.index_cast %add3A_641 : i32 to index
        %get3A_657 = tpu.vector_load %arg10[%get3A_656] {strides = array<i32>} : memref<6208xf32, #tpu.memory_space<vmem>>, vector<16xf32>,
        %get3A_658 = vector.shape_cast %get3A_657 : vector<16xf32> to vector<16xf32>
        %jit3A_659 = arith.constant 0.000000e+00 : f32
        %broadcast_in_dim3A_660 = vector.broadcast %jit3A_659 : f32 to vector<16xf32>
        %select_n3A_661 = arith.select %ge3A_645, %broadcast_in_dim3A_660, %get3A_658 : vector<16xi1>, vector<16xf32>
        %swap3A_662 = arith.index_cast %add3A_641 : i32 to index
        %swap3A_663 = tpu.vector_load %arg10[%swap3A_662] {strides = array<i32>} : memref<6208xf32, #tpu.memory_space<vmem>>, vector<16xf32>,
        %swap3A_664 = vector.shape_cast %swap3A_663 : vector<16xf32> to vector<16xf32>
        %swap3A_665 = vector.shape_cast %select_n3A_661 : vector<16xf32> to vector<16xf32>
        tpu.vector_store %arg10[%swap3A_662], %swap3A_665 {strides = array<i32>} : memref<6208xf32, #tpu.memory_space<vmem>>, vector<16xf32>,
      } else {
      }
      %jit3A_229 = arith.constant 24 : i32
      %jit3A_230 = arith.constant 48 : i32
      %max3A_231 = arith.maxsi %jit3A_229, %select_n3A_139 : i32
      %min3A_232 = arith.minsi %jit3A_230, %max3A_231 : i32
      %while3A_233 = arith.constant 24 : i32
      %while3A_234 = arith.subi %min3A_232, %while3A_233 : i32
      %while3A_235 = arith.addi %while3A_233, %while3A_234 : i32
      %while3A_236 = arith.constant 1 : i32
      %while3A_237 = arith.divsi %while3A_234, %while3A_236 : i32
      %while3A_238 = arith.muli %while3A_237, %while3A_236 : i32
      %while3A_239 = arith.addi %while3A_233, %while3A_238 : i32
      %while3A_240 = arith.constant 1 : i32
      %while3A_241:12 = scf.for %while3A_563 = %while3A_233 to %while3A_239 step %while3A_240 iter_args(%while3A_564 = %while3A_202#0, %while3A_565 = %while3A_202#1, %while3A_566 = %while3A_202#2, %while3A_567 = %while3A_202#3, %while3A_568 = %while3A_202#4, %while3A_569 = %while3A_202#5, %while3A_570 = %while3A_202#6, %while3A_571 = %while3A_202#7, %while3A_572 = %while3A_202#8, %while3A_573 = %while3A_202#9, %while3A_574 = %while3A_202#10, %while3A_575 = %while3A_202#11) -> (vector<16xf32>, vector<16xf32>, vector<16xf32>, vector<16xf32>, vector<16xf32>, vector<16xf32>, vector<16xf32>, vector<16xf32>, vector<16xf32>, vector<16xf32>, vector<16xf32>, vector<16xf32>)  : i32 {
        %mul3A_576 = arith.constant 64 : i32
        %mul3A_577 = arith.muli %while3A_563, %mul3A_576 : i32
        %multiple_of3A_578 = tpu.assume_multiple %mul3A_577, 16 : i32
        %add3A_579 = arith.constant 0 : i32
        %add3A_580 = arith.addi %multiple_of3A_578, %add3A_579 : i32
        %get3A_581 = arith.index_cast %add3A_580 : i32 to index
        %get3A_582 = tpu.vector_load %arg9[%get3A_581] {strides = array<i32>} : memref<6208xf32, #tpu.memory_space<vmem>>, vector<16xf32>,
        %get3A_583 = vector.shape_cast %get3A_582 : vector<16xf32> to vector<16xf32>
        %get3A_584 = arith.index_cast %add3A_580 : i32 to index
        %get3A_585 = tpu.vector_load %arg10[%get3A_584] {strides = array<i32>} : memref<6208xf32, #tpu.memory_space<vmem>>, vector<16xf32>,
        %get3A_586 = vector.shape_cast %get3A_585 : vector<16xf32> to vector<16xf32>
        %mul3A_587 = arith.mulf %get3A_583, %get3A_586 : vector<16xf32>
        %add3A_588 = arith.addf %while3A_564, %mul3A_587 : vector<16xf32>
        %mul3A_589 = arith.mulf %get3A_583, %get3A_583 : vector<16xf32>
        %add3A_590 = arith.addf %while3A_565, %mul3A_589 : vector<16xf32>
        %mul3A_591 = arith.mulf %get3A_586, %get3A_586 : vector<16xf32>
        %add3A_592 = arith.addf %while3A_566, %mul3A_591 : vector<16xf32>
        %add3A_593 = arith.constant 16 : i32
        %add3A_594 = arith.addi %multiple_of3A_578, %add3A_593 : i32
        %get3A_595 = arith.index_cast %add3A_594 : i32 to index
        %get3A_596 = tpu.vector_load %arg9[%get3A_595] {strides = array<i32>} : memref<6208xf32, #tpu.memory_space<vmem>>, vector<16xf32>,
        %get3A_597 = vector.shape_cast %get3A_596 : vector<16xf32> to vector<16xf32>
        %get3A_598 = arith.index_cast %add3A_594 : i32 to index
        %get3A_599 = tpu.vector_load %arg10[%get3A_598] {strides = array<i32>} : memref<6208xf32, #tpu.memory_space<vmem>>, vector<16xf32>,
        %get3A_600 = vector.shape_cast %get3A_599 : vector<16xf32> to vector<16xf32>
        %mul3A_601 = arith.mulf %get3A_597, %get3A_600 : vector<16xf32>
        %add3A_602 = arith.addf %while3A_567, %mul3A_601 : vector<16xf32>
        %mul3A_603 = arith.mulf %get3A_597, %get3A_597 : vector<16xf32>
        %add3A_604 = arith.addf %while3A_568, %mul3A_603 : vector<16xf32>
        %mul3A_605 = arith.mulf %get3A_600, %get3A_600 : vector<16xf32>
        %add3A_606 = arith.addf %while3A_569, %mul3A_605 : vector<16xf32>
        %add3A_607 = arith.constant 32 : i32
        %add3A_608 = arith.addi %multiple_of3A_578, %add3A_607 : i32
        %get3A_609 = arith.index_cast %add3A_608 : i32 to index
        %get3A_610 = tpu.vector_load %arg9[%get3A_609] {strides = array<i32>} : memref<6208xf32, #tpu.memory_space<vmem>>, vector<16xf32>,
        %get3A_611 = vector.shape_cast %get3A_610 : vector<16xf32> to vector<16xf32>
        %get3A_612 = arith.index_cast %add3A_608 : i32 to index
        %get3A_613 = tpu.vector_load %arg10[%get3A_612] {strides = array<i32>} : memref<6208xf32, #tpu.memory_space<vmem>>, vector<16xf32>,
        %get3A_614 = vector.shape_cast %get3A_613 : vector<16xf32> to vector<16xf32>
        %mul3A_615 = arith.mulf %get3A_611, %get3A_614 : vector<16xf32>
        %add3A_616 = arith.addf %while3A_570, %mul3A_615 : vector<16xf32>
        %mul3A_617 = arith.mulf %get3A_611, %get3A_611 : vector<16xf32>
        %add3A_618 = arith.addf %while3A_571, %mul3A_617 : vector<16xf32>
        %mul3A_619 = arith.mulf %get3A_614, %get3A_614 : vector<16xf32>
        %add3A_620 = arith.addf %while3A_572, %mul3A_619 : vector<16xf32>
        %add3A_621 = arith.constant 48 : i32
        %add3A_622 = arith.addi %multiple_of3A_578, %add3A_621 : i32
        %get3A_623 = arith.index_cast %add3A_622 : i32 to index
        %get3A_624 = tpu.vector_load %arg9[%get3A_623] {strides = array<i32>} : memref<6208xf32, #tpu.memory_space<vmem>>, vector<16xf32>,
        %get3A_625 = vector.shape_cast %get3A_624 : vector<16xf32> to vector<16xf32>
        %get3A_626 = arith.index_cast %add3A_622 : i32 to index
        %get3A_627 = tpu.vector_load %arg10[%get3A_626] {strides = array<i32>} : memref<6208xf32, #tpu.memory_space<vmem>>, vector<16xf32>,
        %get3A_628 = vector.shape_cast %get3A_627 : vector<16xf32> to vector<16xf32>
        %mul3A_629 = arith.mulf %get3A_625, %get3A_628 : vector<16xf32>
        %add3A_630 = arith.addf %while3A_573, %mul3A_629 : vector<16xf32>
        %mul3A_631 = arith.mulf %get3A_625, %get3A_625 : vector<16xf32>
        %add3A_632 = arith.addf %while3A_574, %mul3A_631 : vector<16xf32>
        %mul3A_633 = arith.mulf %get3A_628, %get3A_628 : vector<16xf32>
        %add3A_634 = arith.addf %while3A_575, %mul3A_633 : vector<16xf32>
        scf.yield %add3A_588, %add3A_590, %add3A_592, %add3A_602, %add3A_604, %add3A_606, %add3A_616, %add3A_618, %add3A_620, %add3A_630, %add3A_632, %add3A_634 : vector<16xf32>, vector<16xf32>, vector<16xf32>, vector<16xf32>, vector<16xf32>, vector<16xf32>, vector<16xf32>, vector<16xf32>, vector<16xf32>, vector<16xf32>, vector<16xf32>, vector<16xf32>
      }
      %while3A_242 = arith.constant 1 : i32
      %while3A_243:12 = scf.for %while3A_563 = %while3A_239 to %while3A_235 step %while3A_242 iter_args(%while3A_564 = %while3A_241#0, %while3A_565 = %while3A_241#1, %while3A_566 = %while3A_241#2, %while3A_567 = %while3A_241#3, %while3A_568 = %while3A_241#4, %while3A_569 = %while3A_241#5, %while3A_570 = %while3A_241#6, %while3A_571 = %while3A_241#7, %while3A_572 = %while3A_241#8, %while3A_573 = %while3A_241#9, %while3A_574 = %while3A_241#10, %while3A_575 = %while3A_241#11) -> (vector<16xf32>, vector<16xf32>, vector<16xf32>, vector<16xf32>, vector<16xf32>, vector<16xf32>, vector<16xf32>, vector<16xf32>, vector<16xf32>, vector<16xf32>, vector<16xf32>, vector<16xf32>)  : i32 {
        %mul3A_576 = arith.constant 64 : i32
        %mul3A_577 = arith.muli %while3A_563, %mul3A_576 : i32
        %multiple_of3A_578 = tpu.assume_multiple %mul3A_577, 16 : i32
        %add3A_579 = arith.constant 0 : i32
        %add3A_580 = arith.addi %multiple_of3A_578, %add3A_579 : i32
        %get3A_581 = arith.index_cast %add3A_580 : i32 to index
        %get3A_582 = tpu.vector_load %arg9[%get3A_581] {strides = array<i32>} : memref<6208xf32, #tpu.memory_space<vmem>>, vector<16xf32>,
        %get3A_583 = vector.shape_cast %get3A_582 : vector<16xf32> to vector<16xf32>
        %get3A_584 = arith.index_cast %add3A_580 : i32 to index
        %get3A_585 = tpu.vector_load %arg10[%get3A_584] {strides = array<i32>} : memref<6208xf32, #tpu.memory_space<vmem>>, vector<16xf32>,
        %get3A_586 = vector.shape_cast %get3A_585 : vector<16xf32> to vector<16xf32>
        %mul3A_587 = arith.mulf %get3A_583, %get3A_586 : vector<16xf32>
        %add3A_588 = arith.addf %while3A_564, %mul3A_587 : vector<16xf32>
        %mul3A_589 = arith.mulf %get3A_583, %get3A_583 : vector<16xf32>
        %add3A_590 = arith.addf %while3A_565, %mul3A_589 : vector<16xf32>
        %mul3A_591 = arith.mulf %get3A_586, %get3A_586 : vector<16xf32>
        %add3A_592 = arith.addf %while3A_566, %mul3A_591 : vector<16xf32>
        %add3A_593 = arith.constant 16 : i32
        %add3A_594 = arith.addi %multiple_of3A_578, %add3A_593 : i32
        %get3A_595 = arith.index_cast %add3A_594 : i32 to index
        %get3A_596 = tpu.vector_load %arg9[%get3A_595] {strides = array<i32>} : memref<6208xf32, #tpu.memory_space<vmem>>, vector<16xf32>,
        %get3A_597 = vector.shape_cast %get3A_596 : vector<16xf32> to vector<16xf32>
        %get3A_598 = arith.index_cast %add3A_594 : i32 to index
        %get3A_599 = tpu.vector_load %arg10[%get3A_598] {strides = array<i32>} : memref<6208xf32, #tpu.memory_space<vmem>>, vector<16xf32>,
        %get3A_600 = vector.shape_cast %get3A_599 : vector<16xf32> to vector<16xf32>
        %mul3A_601 = arith.mulf %get3A_597, %get3A_600 : vector<16xf32>
        %add3A_602 = arith.addf %while3A_567, %mul3A_601 : vector<16xf32>
        %mul3A_603 = arith.mulf %get3A_597, %get3A_597 : vector<16xf32>
        %add3A_604 = arith.addf %while3A_568, %mul3A_603 : vector<16xf32>
        %mul3A_605 = arith.mulf %get3A_600, %get3A_600 : vector<16xf32>
        %add3A_606 = arith.addf %while3A_569, %mul3A_605 : vector<16xf32>
        %add3A_607 = arith.constant 32 : i32
        %add3A_608 = arith.addi %multiple_of3A_578, %add3A_607 : i32
        %get3A_609 = arith.index_cast %add3A_608 : i32 to index
        %get3A_610 = tpu.vector_load %arg9[%get3A_609] {strides = array<i32>} : memref<6208xf32, #tpu.memory_space<vmem>>, vector<16xf32>,
        %get3A_611 = vector.shape_cast %get3A_610 : vector<16xf32> to vector<16xf32>
        %get3A_612 = arith.index_cast %add3A_608 : i32 to index
        %get3A_613 = tpu.vector_load %arg10[%get3A_612] {strides = array<i32>} : memref<6208xf32, #tpu.memory_space<vmem>>, vector<16xf32>,
        %get3A_614 = vector.shape_cast %get3A_613 : vector<16xf32> to vector<16xf32>
        %mul3A_615 = arith.mulf %get3A_611, %get3A_614 : vector<16xf32>
        %add3A_616 = arith.addf %while3A_570, %mul3A_615 : vector<16xf32>
        %mul3A_617 = arith.mulf %get3A_611, %get3A_611 : vector<16xf32>
        %add3A_618 = arith.addf %while3A_571, %mul3A_617 : vector<16xf32>
        %mul3A_619 = arith.mulf %get3A_614, %get3A_614 : vector<16xf32>
        %add3A_620 = arith.addf %while3A_572, %mul3A_619 : vector<16xf32>
        %add3A_621 = arith.constant 48 : i32
        %add3A_622 = arith.addi %multiple_of3A_578, %add3A_621 : i32
        %get3A_623 = arith.index_cast %add3A_622 : i32 to index
        %get3A_624 = tpu.vector_load %arg9[%get3A_623] {strides = array<i32>} : memref<6208xf32, #tpu.memory_space<vmem>>, vector<16xf32>,
        %get3A_625 = vector.shape_cast %get3A_624 : vector<16xf32> to vector<16xf32>
        %get3A_626 = arith.index_cast %add3A_622 : i32 to index
        %get3A_627 = tpu.vector_load %arg10[%get3A_626] {strides = array<i32>} : memref<6208xf32, #tpu.memory_space<vmem>>, vector<16xf32>,
        %get3A_628 = vector.shape_cast %get3A_627 : vector<16xf32> to vector<16xf32>
        %mul3A_629 = arith.mulf %get3A_625, %get3A_628 : vector<16xf32>
        %add3A_630 = arith.addf %while3A_573, %mul3A_629 : vector<16xf32>
        %mul3A_631 = arith.mulf %get3A_625, %get3A_625 : vector<16xf32>
        %add3A_632 = arith.addf %while3A_574, %mul3A_631 : vector<16xf32>
        %mul3A_633 = arith.mulf %get3A_628, %get3A_628 : vector<16xf32>
        %add3A_634 = arith.addf %while3A_575, %mul3A_633 : vector<16xf32>
        scf.yield %add3A_588, %add3A_590, %add3A_592, %add3A_602, %add3A_604, %add3A_606, %add3A_616, %add3A_618, %add3A_620, %add3A_630, %add3A_632, %add3A_634 : vector<16xf32>, vector<16xf32>, vector<16xf32>, vector<16xf32>, vector<16xf32>, vector<16xf32>, vector<16xf32>, vector<16xf32>, vector<16xf32>, vector<16xf32>, vector<16xf32>, vector<16xf32>
      }
      %dma_wait3A_244 = arith.constant 2 : i32
      %dma_wait3A_245 = arith.constant 3072 : i32
      %dma_wait3A_246 = tpu.memref_slice %arg9[%dma_wait3A_245] : memref<6208xf32, #tpu.memory_space<vmem>> -> memref<1536xf32, #tpu.memory_space<vmem>>
      %dma_wait3A_247 = tpu.memref_slice %arg2[%multiple_of3A_60] : memref<98304xf32, #tpu.memory_space<hbm>> -> memref<1536xf32, #tpu.memory_space<hbm>>
      %dma_wait3A_248 = tpu.memref_slice %arg16[%dma_wait3A_244] : memref<4x!tpu.dma_semaphore, #tpu.memory_space<semaphore_mem>> -> memref<1x!tpu.dma_semaphore, #tpu.memory_space<semaphore_mem>>
      %dma_wait3A_249 = tpu.memref_squeeze %dma_wait3A_248 : memref<1x!tpu.dma_semaphore, #tpu.memory_space<semaphore_mem>> -> memref<!tpu.dma_semaphore, #tpu.memory_space<semaphore_mem>>
      %dma_wait3A_250 = arith.constant 3072 : i32
      %dma_wait3A_251 = tpu.memref_slice %arg9[%dma_wait3A_250] : memref<6208xf32, #tpu.memory_space<vmem>> -> memref<1536xf32, #tpu.memory_space<vmem>>
      %dma_wait3A_252 = tpu.memref_slice %arg2[%multiple_of3A_60] : memref<98304xf32, #tpu.memory_space<hbm>> -> memref<1536xf32, #tpu.memory_space<hbm>>
      tpu.wait_dma2 semaphore(%dma_wait3A_249 : memref<!tpu.dma_semaphore, #tpu.memory_space<semaphore_mem>>) src(%dma_wait3A_252 : memref<1536xf32, #tpu.memory_space<hbm>>) dst(%dma_wait3A_251 : memref<1536xf32, #tpu.memory_space<vmem>>)
      %dma_wait3A_253 = arith.constant 2 : i32
      %dma_wait3A_254 = arith.constant 3072 : i32
      %dma_wait3A_255 = tpu.memref_slice %arg10[%dma_wait3A_254] : memref<6208xf32, #tpu.memory_space<vmem>> -> memref<1536xf32, #tpu.memory_space<vmem>>
      %dma_wait3A_256 = tpu.memref_slice %arg3[%multiple_of3A_60] : memref<98304xf32, #tpu.memory_space<hbm>> -> memref<1536xf32, #tpu.memory_space<hbm>>
      %dma_wait3A_257 = tpu.memref_slice %arg17[%dma_wait3A_253] : memref<4x!tpu.dma_semaphore, #tpu.memory_space<semaphore_mem>> -> memref<1x!tpu.dma_semaphore, #tpu.memory_space<semaphore_mem>>
      %dma_wait3A_258 = tpu.memref_squeeze %dma_wait3A_257 : memref<1x!tpu.dma_semaphore, #tpu.memory_space<semaphore_mem>> -> memref<!tpu.dma_semaphore, #tpu.memory_space<semaphore_mem>>
      %dma_wait3A_259 = arith.constant 3072 : i32
      %dma_wait3A_260 = tpu.memref_slice %arg10[%dma_wait3A_259] : memref<6208xf32, #tpu.memory_space<vmem>> -> memref<1536xf32, #tpu.memory_space<vmem>>
      %dma_wait3A_261 = tpu.memref_slice %arg3[%multiple_of3A_60] : memref<98304xf32, #tpu.memory_space<hbm>> -> memref<1536xf32, #tpu.memory_space<hbm>>
      tpu.wait_dma2 semaphore(%dma_wait3A_258 : memref<!tpu.dma_semaphore, #tpu.memory_space<semaphore_mem>>) src(%dma_wait3A_261 : memref<1536xf32, #tpu.memory_space<hbm>>) dst(%dma_wait3A_260 : memref<1536xf32, #tpu.memory_space<vmem>>)
      %gt3A_262 = arith.constant 48 : i32
      %gt3A_263 = arith.cmpi sgt, %select_n3A_139, %gt3A_262 : i32
      %le3A_264 = arith.constant 72 : i32
      %le3A_265 = arith.cmpi sle, %select_n3A_139, %le3A_264 : i32
      %and3A_266 = arith.andi %gt3A_263, %le3A_265 : i1
      %convert_element_type3A_267 = arith.extui %and3A_266 : i1 to i32
      %cond3A_268 = arith.constant 0 : i32
      %cond3A_269 = arith.cmpi ne, %convert_element_type3A_267, %cond3A_268 : i32
      scf.if %cond3A_269 {
        %add3A_563 = arith.constant 0 : i32
        %add3A_564 = arith.addi %multiple_of3A_145, %add3A_563 : i32
        %add3A_565 = vector.broadcast %add3A_564 : i32 to vector<16xi32>
        %add3A_566 = arith.addi %add3A_565, %iota3A : vector<16xi32>
        %ge3A = vector.broadcast %add3A_117 : i32 to vector<16xi32>
        %ge3A_567 = arith.cmpi sge, %add3A_566, %ge3A : vector<16xi32>
        %get3A_568 = arith.index_cast %add3A_564 : i32 to index
        %get3A_569 = tpu.vector_load %arg9[%get3A_568] {strides = array<i32>} : memref<6208xf32, #tpu.memory_space<vmem>>, vector<16xf32>,
        %get3A_570 = vector.shape_cast %get3A_569 : vector<16xf32> to vector<16xf32>
        %jit3A_571 = arith.constant 0.000000e+00 : f32
        %broadcast_in_dim3A_572 = vector.broadcast %jit3A_571 : f32 to vector<16xf32>
        %select_n3A_573 = arith.select %ge3A_567, %broadcast_in_dim3A_572, %get3A_570 : vector<16xi1>, vector<16xf32>
        %swap3A_574 = arith.index_cast %add3A_564 : i32 to index
        %swap3A_575 = tpu.vector_load %arg9[%swap3A_574] {strides = array<i32>} : memref<6208xf32, #tpu.memory_space<vmem>>, vector<16xf32>,
        %swap3A_576 = vector.shape_cast %swap3A_575 : vector<16xf32> to vector<16xf32>
        %swap3A_577 = vector.shape_cast %select_n3A_573 : vector<16xf32> to vector<16xf32>
        tpu.vector_store %arg9[%swap3A_574], %swap3A_577 {strides = array<i32>} : memref<6208xf32, #tpu.memory_space<vmem>>, vector<16xf32>,
        %get3A_578 = arith.index_cast %add3A_564 : i32 to index
        %get3A_579 = tpu.vector_load %arg10[%get3A_578] {strides = array<i32>} : memref<6208xf32, #tpu.memory_space<vmem>>, vector<16xf32>,
        %get3A_580 = vector.shape_cast %get3A_579 : vector<16xf32> to vector<16xf32>
        %jit3A_581 = arith.constant 0.000000e+00 : f32
        %broadcast_in_dim3A_582 = vector.broadcast %jit3A_581 : f32 to vector<16xf32>
        %select_n3A_583 = arith.select %ge3A_567, %broadcast_in_dim3A_582, %get3A_580 : vector<16xi1>, vector<16xf32>
        %swap3A_584 = arith.index_cast %add3A_564 : i32 to index
        %swap3A_585 = tpu.vector_load %arg10[%swap3A_584] {strides = array<i32>} : memref<6208xf32, #tpu.memory_space<vmem>>, vector<16xf32>,
        %swap3A_586 = vector.shape_cast %swap3A_585 : vector<16xf32> to vector<16xf32>
        %swap3A_587 = vector.shape_cast %select_n3A_583 : vector<16xf32> to vector<16xf32>
        tpu.vector_store %arg10[%swap3A_584], %swap3A_587 {strides = array<i32>} : memref<6208xf32, #tpu.memory_space<vmem>>, vector<16xf32>,
        %add3A_588 = arith.constant 16 : i32
        %add3A_589 = arith.addi %multiple_of3A_145, %add3A_588 : i32
        %add3A_590 = vector.broadcast %add3A_589 : i32 to vector<16xi32>
        %add3A_591 = arith.addi %add3A_590, %iota3A : vector<16xi32>
        %ge3A_592 = vector.broadcast %add3A_117 : i32 to vector<16xi32>
        %ge3A_593 = arith.cmpi sge, %add3A_591, %ge3A_592 : vector<16xi32>
        %get3A_594 = arith.index_cast %add3A_589 : i32 to index
        %get3A_595 = tpu.vector_load %arg9[%get3A_594] {strides = array<i32>} : memref<6208xf32, #tpu.memory_space<vmem>>, vector<16xf32>,
        %get3A_596 = vector.shape_cast %get3A_595 : vector<16xf32> to vector<16xf32>
        %jit3A_597 = arith.constant 0.000000e+00 : f32
        %broadcast_in_dim3A_598 = vector.broadcast %jit3A_597 : f32 to vector<16xf32>
        %select_n3A_599 = arith.select %ge3A_593, %broadcast_in_dim3A_598, %get3A_596 : vector<16xi1>, vector<16xf32>
        %swap3A_600 = arith.index_cast %add3A_589 : i32 to index
        %swap3A_601 = tpu.vector_load %arg9[%swap3A_600] {strides = array<i32>} : memref<6208xf32, #tpu.memory_space<vmem>>, vector<16xf32>,
        %swap3A_602 = vector.shape_cast %swap3A_601 : vector<16xf32> to vector<16xf32>
        %swap3A_603 = vector.shape_cast %select_n3A_599 : vector<16xf32> to vector<16xf32>
        tpu.vector_store %arg9[%swap3A_600], %swap3A_603 {strides = array<i32>} : memref<6208xf32, #tpu.memory_space<vmem>>, vector<16xf32>,
        %get3A_604 = arith.index_cast %add3A_589 : i32 to index
        %get3A_605 = tpu.vector_load %arg10[%get3A_604] {strides = array<i32>} : memref<6208xf32, #tpu.memory_space<vmem>>, vector<16xf32>,
        %get3A_606 = vector.shape_cast %get3A_605 : vector<16xf32> to vector<16xf32>
        %jit3A_607 = arith.constant 0.000000e+00 : f32
        %broadcast_in_dim3A_608 = vector.broadcast %jit3A_607 : f32 to vector<16xf32>
        %select_n3A_609 = arith.select %ge3A_593, %broadcast_in_dim3A_608, %get3A_606 : vector<16xi1>, vector<16xf32>
        %swap3A_610 = arith.index_cast %add3A_589 : i32 to index
        %swap3A_611 = tpu.vector_load %arg10[%swap3A_610] {strides = array<i32>} : memref<6208xf32, #tpu.memory_space<vmem>>, vector<16xf32>,
        %swap3A_612 = vector.shape_cast %swap3A_611 : vector<16xf32> to vector<16xf32>
        %swap3A_613 = vector.shape_cast %select_n3A_609 : vector<16xf32> to vector<16xf32>
        tpu.vector_store %arg10[%swap3A_610], %swap3A_613 {strides = array<i32>} : memref<6208xf32, #tpu.memory_space<vmem>>, vector<16xf32>,
        %add3A_614 = arith.constant 32 : i32
        %add3A_615 = arith.addi %multiple_of3A_145, %add3A_614 : i32
        %add3A_616 = vector.broadcast %add3A_615 : i32 to vector<16xi32>
        %add3A_617 = arith.addi %add3A_616, %iota3A : vector<16xi32>
        %ge3A_618 = vector.broadcast %add3A_117 : i32 to vector<16xi32>
        %ge3A_619 = arith.cmpi sge, %add3A_617, %ge3A_618 : vector<16xi32>
        %get3A_620 = arith.index_cast %add3A_615 : i32 to index
        %get3A_621 = tpu.vector_load %arg9[%get3A_620] {strides = array<i32>} : memref<6208xf32, #tpu.memory_space<vmem>>, vector<16xf32>,
        %get3A_622 = vector.shape_cast %get3A_621 : vector<16xf32> to vector<16xf32>
        %jit3A_623 = arith.constant 0.000000e+00 : f32
        %broadcast_in_dim3A_624 = vector.broadcast %jit3A_623 : f32 to vector<16xf32>
        %select_n3A_625 = arith.select %ge3A_619, %broadcast_in_dim3A_624, %get3A_622 : vector<16xi1>, vector<16xf32>
        %swap3A_626 = arith.index_cast %add3A_615 : i32 to index
        %swap3A_627 = tpu.vector_load %arg9[%swap3A_626] {strides = array<i32>} : memref<6208xf32, #tpu.memory_space<vmem>>, vector<16xf32>,
        %swap3A_628 = vector.shape_cast %swap3A_627 : vector<16xf32> to vector<16xf32>
        %swap3A_629 = vector.shape_cast %select_n3A_625 : vector<16xf32> to vector<16xf32>
        tpu.vector_store %arg9[%swap3A_626], %swap3A_629 {strides = array<i32>} : memref<6208xf32, #tpu.memory_space<vmem>>, vector<16xf32>,
        %get3A_630 = arith.index_cast %add3A_615 : i32 to index
        %get3A_631 = tpu.vector_load %arg10[%get3A_630] {strides = array<i32>} : memref<6208xf32, #tpu.memory_space<vmem>>, vector<16xf32>,
        %get3A_632 = vector.shape_cast %get3A_631 : vector<16xf32> to vector<16xf32>
        %jit3A_633 = arith.constant 0.000000e+00 : f32
        %broadcast_in_dim3A_634 = vector.broadcast %jit3A_633 : f32 to vector<16xf32>
        %select_n3A_635 = arith.select %ge3A_619, %broadcast_in_dim3A_634, %get3A_632 : vector<16xi1>, vector<16xf32>
        %swap3A_636 = arith.index_cast %add3A_615 : i32 to index
        %swap3A_637 = tpu.vector_load %arg10[%swap3A_636] {strides = array<i32>} : memref<6208xf32, #tpu.memory_space<vmem>>, vector<16xf32>,
        %swap3A_638 = vector.shape_cast %swap3A_637 : vector<16xf32> to vector<16xf32>
        %swap3A_639 = vector.shape_cast %select_n3A_635 : vector<16xf32> to vector<16xf32>
        tpu.vector_store %arg10[%swap3A_636], %swap3A_639 {strides = array<i32>} : memref<6208xf32, #tpu.memory_space<vmem>>, vector<16xf32>,
        %add3A_640 = arith.constant 48 : i32
        %add3A_641 = arith.addi %multiple_of3A_145, %add3A_640 : i32
        %add3A_642 = vector.broadcast %add3A_641 : i32 to vector<16xi32>
        %add3A_643 = arith.addi %add3A_642, %iota3A : vector<16xi32>
        %ge3A_644 = vector.broadcast %add3A_117 : i32 to vector<16xi32>
        %ge3A_645 = arith.cmpi sge, %add3A_643, %ge3A_644 : vector<16xi32>
        %get3A_646 = arith.index_cast %add3A_641 : i32 to index
        %get3A_647 = tpu.vector_load %arg9[%get3A_646] {strides = array<i32>} : memref<6208xf32, #tpu.memory_space<vmem>>, vector<16xf32>,
        %get3A_648 = vector.shape_cast %get3A_647 : vector<16xf32> to vector<16xf32>
        %jit3A_649 = arith.constant 0.000000e+00 : f32
        %broadcast_in_dim3A_650 = vector.broadcast %jit3A_649 : f32 to vector<16xf32>
        %select_n3A_651 = arith.select %ge3A_645, %broadcast_in_dim3A_650, %get3A_648 : vector<16xi1>, vector<16xf32>
        %swap3A_652 = arith.index_cast %add3A_641 : i32 to index
        %swap3A_653 = tpu.vector_load %arg9[%swap3A_652] {strides = array<i32>} : memref<6208xf32, #tpu.memory_space<vmem>>, vector<16xf32>,
        %swap3A_654 = vector.shape_cast %swap3A_653 : vector<16xf32> to vector<16xf32>
        %swap3A_655 = vector.shape_cast %select_n3A_651 : vector<16xf32> to vector<16xf32>
        tpu.vector_store %arg9[%swap3A_652], %swap3A_655 {strides = array<i32>} : memref<6208xf32, #tpu.memory_space<vmem>>, vector<16xf32>,
        %get3A_656 = arith.index_cast %add3A_641 : i32 to index
        %get3A_657 = tpu.vector_load %arg10[%get3A_656] {strides = array<i32>} : memref<6208xf32, #tpu.memory_space<vmem>>, vector<16xf32>,
        %get3A_658 = vector.shape_cast %get3A_657 : vector<16xf32> to vector<16xf32>
        %jit3A_659 = arith.constant 0.000000e+00 : f32
        %broadcast_in_dim3A_660 = vector.broadcast %jit3A_659 : f32 to vector<16xf32>
        %select_n3A_661 = arith.select %ge3A_645, %broadcast_in_dim3A_660, %get3A_658 : vector<16xi1>, vector<16xf32>
        %swap3A_662 = arith.index_cast %add3A_641 : i32 to index
        %swap3A_663 = tpu.vector_load %arg10[%swap3A_662] {strides = array<i32>} : memref<6208xf32, #tpu.memory_space<vmem>>, vector<16xf32>,
        %swap3A_664 = vector.shape_cast %swap3A_663 : vector<16xf32> to vector<16xf32>
        %swap3A_665 = vector.shape_cast %select_n3A_661 : vector<16xf32> to vector<16xf32>
        tpu.vector_store %arg10[%swap3A_662], %swap3A_665 {strides = array<i32>} : memref<6208xf32, #tpu.memory_space<vmem>>, vector<16xf32>,
      } else {
      }
      %jit3A_270 = arith.constant 48 : i32
      %jit3A_271 = arith.constant 72 : i32
      %max3A_272 = arith.maxsi %jit3A_270, %select_n3A_139 : i32
      %min3A_273 = arith.minsi %jit3A_271, %max3A_272 : i32
      %while3A_274 = arith.constant 48 : i32
      %while3A_275 = arith.subi %min3A_273, %while3A_274 : i32
      %while3A_276 = arith.addi %while3A_274, %while3A_275 : i32
      %while3A_277 = arith.constant 1 : i32
      %while3A_278 = arith.divsi %while3A_275, %while3A_277 : i32
      %while3A_279 = arith.muli %while3A_278, %while3A_277 : i32
      %while3A_280 = arith.addi %while3A_274, %while3A_279 : i32
      %while3A_281 = arith.constant 1 : i32
      %while3A_282:12 = scf.for %while3A_563 = %while3A_274 to %while3A_280 step %while3A_281 iter_args(%while3A_564 = %while3A_243#0, %while3A_565 = %while3A_243#1, %while3A_566 = %while3A_243#2, %while3A_567 = %while3A_243#3, %while3A_568 = %while3A_243#4, %while3A_569 = %while3A_243#5, %while3A_570 = %while3A_243#6, %while3A_571 = %while3A_243#7, %while3A_572 = %while3A_243#8, %while3A_573 = %while3A_243#9, %while3A_574 = %while3A_243#10, %while3A_575 = %while3A_243#11) -> (vector<16xf32>, vector<16xf32>, vector<16xf32>, vector<16xf32>, vector<16xf32>, vector<16xf32>, vector<16xf32>, vector<16xf32>, vector<16xf32>, vector<16xf32>, vector<16xf32>, vector<16xf32>)  : i32 {
        %mul3A_576 = arith.constant 64 : i32
        %mul3A_577 = arith.muli %while3A_563, %mul3A_576 : i32
        %multiple_of3A_578 = tpu.assume_multiple %mul3A_577, 16 : i32
        %add3A_579 = arith.constant 0 : i32
        %add3A_580 = arith.addi %multiple_of3A_578, %add3A_579 : i32
        %get3A_581 = arith.index_cast %add3A_580 : i32 to index
        %get3A_582 = tpu.vector_load %arg9[%get3A_581] {strides = array<i32>} : memref<6208xf32, #tpu.memory_space<vmem>>, vector<16xf32>,
        %get3A_583 = vector.shape_cast %get3A_582 : vector<16xf32> to vector<16xf32>
        %get3A_584 = arith.index_cast %add3A_580 : i32 to index
        %get3A_585 = tpu.vector_load %arg10[%get3A_584] {strides = array<i32>} : memref<6208xf32, #tpu.memory_space<vmem>>, vector<16xf32>,
        %get3A_586 = vector.shape_cast %get3A_585 : vector<16xf32> to vector<16xf32>
        %mul3A_587 = arith.mulf %get3A_583, %get3A_586 : vector<16xf32>
        %add3A_588 = arith.addf %while3A_564, %mul3A_587 : vector<16xf32>
        %mul3A_589 = arith.mulf %get3A_583, %get3A_583 : vector<16xf32>
        %add3A_590 = arith.addf %while3A_565, %mul3A_589 : vector<16xf32>
        %mul3A_591 = arith.mulf %get3A_586, %get3A_586 : vector<16xf32>
        %add3A_592 = arith.addf %while3A_566, %mul3A_591 : vector<16xf32>
        %add3A_593 = arith.constant 16 : i32
        %add3A_594 = arith.addi %multiple_of3A_578, %add3A_593 : i32
        %get3A_595 = arith.index_cast %add3A_594 : i32 to index
        %get3A_596 = tpu.vector_load %arg9[%get3A_595] {strides = array<i32>} : memref<6208xf32, #tpu.memory_space<vmem>>, vector<16xf32>,
        %get3A_597 = vector.shape_cast %get3A_596 : vector<16xf32> to vector<16xf32>
        %get3A_598 = arith.index_cast %add3A_594 : i32 to index
        %get3A_599 = tpu.vector_load %arg10[%get3A_598] {strides = array<i32>} : memref<6208xf32, #tpu.memory_space<vmem>>, vector<16xf32>,
        %get3A_600 = vector.shape_cast %get3A_599 : vector<16xf32> to vector<16xf32>
        %mul3A_601 = arith.mulf %get3A_597, %get3A_600 : vector<16xf32>
        %add3A_602 = arith.addf %while3A_567, %mul3A_601 : vector<16xf32>
        %mul3A_603 = arith.mulf %get3A_597, %get3A_597 : vector<16xf32>
        %add3A_604 = arith.addf %while3A_568, %mul3A_603 : vector<16xf32>
        %mul3A_605 = arith.mulf %get3A_600, %get3A_600 : vector<16xf32>
        %add3A_606 = arith.addf %while3A_569, %mul3A_605 : vector<16xf32>
        %add3A_607 = arith.constant 32 : i32
        %add3A_608 = arith.addi %multiple_of3A_578, %add3A_607 : i32
        %get3A_609 = arith.index_cast %add3A_608 : i32 to index
        %get3A_610 = tpu.vector_load %arg9[%get3A_609] {strides = array<i32>} : memref<6208xf32, #tpu.memory_space<vmem>>, vector<16xf32>,
        %get3A_611 = vector.shape_cast %get3A_610 : vector<16xf32> to vector<16xf32>
        %get3A_612 = arith.index_cast %add3A_608 : i32 to index
        %get3A_613 = tpu.vector_load %arg10[%get3A_612] {strides = array<i32>} : memref<6208xf32, #tpu.memory_space<vmem>>, vector<16xf32>,
        %get3A_614 = vector.shape_cast %get3A_613 : vector<16xf32> to vector<16xf32>
        %mul3A_615 = arith.mulf %get3A_611, %get3A_614 : vector<16xf32>
        %add3A_616 = arith.addf %while3A_570, %mul3A_615 : vector<16xf32>
        %mul3A_617 = arith.mulf %get3A_611, %get3A_611 : vector<16xf32>
        %add3A_618 = arith.addf %while3A_571, %mul3A_617 : vector<16xf32>
        %mul3A_619 = arith.mulf %get3A_614, %get3A_614 : vector<16xf32>
        %add3A_620 = arith.addf %while3A_572, %mul3A_619 : vector<16xf32>
        %add3A_621 = arith.constant 48 : i32
        %add3A_622 = arith.addi %multiple_of3A_578, %add3A_621 : i32
        %get3A_623 = arith.index_cast %add3A_622 : i32 to index
        %get3A_624 = tpu.vector_load %arg9[%get3A_623] {strides = array<i32>} : memref<6208xf32, #tpu.memory_space<vmem>>, vector<16xf32>,
        %get3A_625 = vector.shape_cast %get3A_624 : vector<16xf32> to vector<16xf32>
        %get3A_626 = arith.index_cast %add3A_622 : i32 to index
        %get3A_627 = tpu.vector_load %arg10[%get3A_626] {strides = array<i32>} : memref<6208xf32, #tpu.memory_space<vmem>>, vector<16xf32>,
        %get3A_628 = vector.shape_cast %get3A_627 : vector<16xf32> to vector<16xf32>
        %mul3A_629 = arith.mulf %get3A_625, %get3A_628 : vector<16xf32>
        %add3A_630 = arith.addf %while3A_573, %mul3A_629 : vector<16xf32>
        %mul3A_631 = arith.mulf %get3A_625, %get3A_625 : vector<16xf32>
        %add3A_632 = arith.addf %while3A_574, %mul3A_631 : vector<16xf32>
        %mul3A_633 = arith.mulf %get3A_628, %get3A_628 : vector<16xf32>
        %add3A_634 = arith.addf %while3A_575, %mul3A_633 : vector<16xf32>
        scf.yield %add3A_588, %add3A_590, %add3A_592, %add3A_602, %add3A_604, %add3A_606, %add3A_616, %add3A_618, %add3A_620, %add3A_630, %add3A_632, %add3A_634 : vector<16xf32>, vector<16xf32>, vector<16xf32>, vector<16xf32>, vector<16xf32>, vector<16xf32>, vector<16xf32>, vector<16xf32>, vector<16xf32>, vector<16xf32>, vector<16xf32>, vector<16xf32>
      }
      %while3A_283 = arith.constant 1 : i32
      %while3A_284:12 = scf.for %while3A_563 = %while3A_280 to %while3A_276 step %while3A_283 iter_args(%while3A_564 = %while3A_282#0, %while3A_565 = %while3A_282#1, %while3A_566 = %while3A_282#2, %while3A_567 = %while3A_282#3, %while3A_568 = %while3A_282#4, %while3A_569 = %while3A_282#5, %while3A_570 = %while3A_282#6, %while3A_571 = %while3A_282#7, %while3A_572 = %while3A_282#8, %while3A_573 = %while3A_282#9, %while3A_574 = %while3A_282#10, %while3A_575 = %while3A_282#11) -> (vector<16xf32>, vector<16xf32>, vector<16xf32>, vector<16xf32>, vector<16xf32>, vector<16xf32>, vector<16xf32>, vector<16xf32>, vector<16xf32>, vector<16xf32>, vector<16xf32>, vector<16xf32>)  : i32 {
        %mul3A_576 = arith.constant 64 : i32
        %mul3A_577 = arith.muli %while3A_563, %mul3A_576 : i32
        %multiple_of3A_578 = tpu.assume_multiple %mul3A_577, 16 : i32
        %add3A_579 = arith.constant 0 : i32
        %add3A_580 = arith.addi %multiple_of3A_578, %add3A_579 : i32
        %get3A_581 = arith.index_cast %add3A_580 : i32 to index
        %get3A_582 = tpu.vector_load %arg9[%get3A_581] {strides = array<i32>} : memref<6208xf32, #tpu.memory_space<vmem>>, vector<16xf32>,
        %get3A_583 = vector.shape_cast %get3A_582 : vector<16xf32> to vector<16xf32>
        %get3A_584 = arith.index_cast %add3A_580 : i32 to index
        %get3A_585 = tpu.vector_load %arg10[%get3A_584] {strides = array<i32>} : memref<6208xf32, #tpu.memory_space<vmem>>, vector<16xf32>,
        %get3A_586 = vector.shape_cast %get3A_585 : vector<16xf32> to vector<16xf32>
        %mul3A_587 = arith.mulf %get3A_583, %get3A_586 : vector<16xf32>
        %add3A_588 = arith.addf %while3A_564, %mul3A_587 : vector<16xf32>
        %mul3A_589 = arith.mulf %get3A_583, %get3A_583 : vector<16xf32>
        %add3A_590 = arith.addf %while3A_565, %mul3A_589 : vector<16xf32>
        %mul3A_591 = arith.mulf %get3A_586, %get3A_586 : vector<16xf32>
        %add3A_592 = arith.addf %while3A_566, %mul3A_591 : vector<16xf32>
        %add3A_593 = arith.constant 16 : i32
        %add3A_594 = arith.addi %multiple_of3A_578, %add3A_593 : i32
        %get3A_595 = arith.index_cast %add3A_594 : i32 to index
        %get3A_596 = tpu.vector_load %arg9[%get3A_595] {strides = array<i32>} : memref<6208xf32, #tpu.memory_space<vmem>>, vector<16xf32>,
        %get3A_597 = vector.shape_cast %get3A_596 : vector<16xf32> to vector<16xf32>
        %get3A_598 = arith.index_cast %add3A_594 : i32 to index
        %get3A_599 = tpu.vector_load %arg10[%get3A_598] {strides = array<i32>} : memref<6208xf32, #tpu.memory_space<vmem>>, vector<16xf32>,
        %get3A_600 = vector.shape_cast %get3A_599 : vector<16xf32> to vector<16xf32>
        %mul3A_601 = arith.mulf %get3A_597, %get3A_600 : vector<16xf32>
        %add3A_602 = arith.addf %while3A_567, %mul3A_601 : vector<16xf32>
        %mul3A_603 = arith.mulf %get3A_597, %get3A_597 : vector<16xf32>
        %add3A_604 = arith.addf %while3A_568, %mul3A_603 : vector<16xf32>
        %mul3A_605 = arith.mulf %get3A_600, %get3A_600 : vector<16xf32>
        %add3A_606 = arith.addf %while3A_569, %mul3A_605 : vector<16xf32>
        %add3A_607 = arith.constant 32 : i32
        %add3A_608 = arith.addi %multiple_of3A_578, %add3A_607 : i32
        %get3A_609 = arith.index_cast %add3A_608 : i32 to index
        %get3A_610 = tpu.vector_load %arg9[%get3A_609] {strides = array<i32>} : memref<6208xf32, #tpu.memory_space<vmem>>, vector<16xf32>,
        %get3A_611 = vector.shape_cast %get3A_610 : vector<16xf32> to vector<16xf32>
        %get3A_612 = arith.index_cast %add3A_608 : i32 to index
        %get3A_613 = tpu.vector_load %arg10[%get3A_612] {strides = array<i32>} : memref<6208xf32, #tpu.memory_space<vmem>>, vector<16xf32>,
        %get3A_614 = vector.shape_cast %get3A_613 : vector<16xf32> to vector<16xf32>
        %mul3A_615 = arith.mulf %get3A_611, %get3A_614 : vector<16xf32>
        %add3A_616 = arith.addf %while3A_570, %mul3A_615 : vector<16xf32>
        %mul3A_617 = arith.mulf %get3A_611, %get3A_611 : vector<16xf32>
        %add3A_618 = arith.addf %while3A_571, %mul3A_617 : vector<16xf32>
        %mul3A_619 = arith.mulf %get3A_614, %get3A_614 : vector<16xf32>
        %add3A_620 = arith.addf %while3A_572, %mul3A_619 : vector<16xf32>
        %add3A_621 = arith.constant 48 : i32
        %add3A_622 = arith.addi %multiple_of3A_578, %add3A_621 : i32
        %get3A_623 = arith.index_cast %add3A_622 : i32 to index
        %get3A_624 = tpu.vector_load %arg9[%get3A_623] {strides = array<i32>} : memref<6208xf32, #tpu.memory_space<vmem>>, vector<16xf32>,
        %get3A_625 = vector.shape_cast %get3A_624 : vector<16xf32> to vector<16xf32>
        %get3A_626 = arith.index_cast %add3A_622 : i32 to index
        %get3A_627 = tpu.vector_load %arg10[%get3A_626] {strides = array<i32>} : memref<6208xf32, #tpu.memory_space<vmem>>, vector<16xf32>,
        %get3A_628 = vector.shape_cast %get3A_627 : vector<16xf32> to vector<16xf32>
        %mul3A_629 = arith.mulf %get3A_625, %get3A_628 : vector<16xf32>
        %add3A_630 = arith.addf %while3A_573, %mul3A_629 : vector<16xf32>
        %mul3A_631 = arith.mulf %get3A_625, %get3A_625 : vector<16xf32>
        %add3A_632 = arith.addf %while3A_574, %mul3A_631 : vector<16xf32>
        %mul3A_633 = arith.mulf %get3A_628, %get3A_628 : vector<16xf32>
        %add3A_634 = arith.addf %while3A_575, %mul3A_633 : vector<16xf32>
        scf.yield %add3A_588, %add3A_590, %add3A_592, %add3A_602, %add3A_604, %add3A_606, %add3A_616, %add3A_618, %add3A_620, %add3A_630, %add3A_632, %add3A_634 : vector<16xf32>, vector<16xf32>, vector<16xf32>, vector<16xf32>, vector<16xf32>, vector<16xf32>, vector<16xf32>, vector<16xf32>, vector<16xf32>, vector<16xf32>, vector<16xf32>, vector<16xf32>
      }
      %dma_wait3A_285 = arith.constant 3 : i32
      %dma_wait3A_286 = arith.constant 4608 : i32
      %dma_wait3A_287 = tpu.memref_slice %arg9[%dma_wait3A_286] : memref<6208xf32, #tpu.memory_space<vmem>> -> memref<1552xf32, #tpu.memory_space<vmem>>
      %dma_wait3A_288 = tpu.memref_slice %arg2[%multiple_of3A_81] : memref<98304xf32, #tpu.memory_space<hbm>> -> memref<1552xf32, #tpu.memory_space<hbm>>
      %dma_wait3A_289 = tpu.memref_slice %arg16[%dma_wait3A_285] : memref<4x!tpu.dma_semaphore, #tpu.memory_space<semaphore_mem>> -> memref<1x!tpu.dma_semaphore, #tpu.memory_space<semaphore_mem>>
      %dma_wait3A_290 = tpu.memref_squeeze %dma_wait3A_289 : memref<1x!tpu.dma_semaphore, #tpu.memory_space<semaphore_mem>> -> memref<!tpu.dma_semaphore, #tpu.memory_space<semaphore_mem>>
      %dma_wait3A_291 = arith.constant 4608 : i32
      %dma_wait3A_292 = tpu.memref_slice %arg9[%dma_wait3A_291] : memref<6208xf32, #tpu.memory_space<vmem>> -> memref<1552xf32, #tpu.memory_space<vmem>>
      %dma_wait3A_293 = tpu.memref_slice %arg2[%multiple_of3A_81] : memref<98304xf32, #tpu.memory_space<hbm>> -> memref<1552xf32, #tpu.memory_space<hbm>>
      tpu.wait_dma2 semaphore(%dma_wait3A_290 : memref<!tpu.dma_semaphore, #tpu.memory_space<semaphore_mem>>) src(%dma_wait3A_293 : memref<1552xf32, #tpu.memory_space<hbm>>) dst(%dma_wait3A_292 : memref<1552xf32, #tpu.memory_space<vmem>>)
      %dma_wait3A_294 = arith.constant 3 : i32
      %dma_wait3A_295 = arith.constant 4608 : i32
      %dma_wait3A_296 = tpu.memref_slice %arg10[%dma_wait3A_295] : memref<6208xf32, #tpu.memory_space<vmem>> -> memref<1552xf32, #tpu.memory_space<vmem>>
      %dma_wait3A_297 = tpu.memref_slice %arg3[%multiple_of3A_81] : memref<98304xf32, #tpu.memory_space<hbm>> -> memref<1552xf32, #tpu.memory_space<hbm>>
      %dma_wait3A_298 = tpu.memref_slice %arg17[%dma_wait3A_294] : memref<4x!tpu.dma_semaphore, #tpu.memory_space<semaphore_mem>> -> memref<1x!tpu.dma_semaphore, #tpu.memory_space<semaphore_mem>>
      %dma_wait3A_299 = tpu.memref_squeeze %dma_wait3A_298 : memref<1x!tpu.dma_semaphore, #tpu.memory_space<semaphore_mem>> -> memref<!tpu.dma_semaphore, #tpu.memory_space<semaphore_mem>>
      %dma_wait3A_300 = arith.constant 4608 : i32
      %dma_wait3A_301 = tpu.memref_slice %arg10[%dma_wait3A_300] : memref<6208xf32, #tpu.memory_space<vmem>> -> memref<1552xf32, #tpu.memory_space<vmem>>
      %dma_wait3A_302 = tpu.memref_slice %arg3[%multiple_of3A_81] : memref<98304xf32, #tpu.memory_space<hbm>> -> memref<1552xf32, #tpu.memory_space<hbm>>
      tpu.wait_dma2 semaphore(%dma_wait3A_299 : memref<!tpu.dma_semaphore, #tpu.memory_space<semaphore_mem>>) src(%dma_wait3A_302 : memref<1552xf32, #tpu.memory_space<hbm>>) dst(%dma_wait3A_301 : memref<1552xf32, #tpu.memory_space<vmem>>)
      %gt3A_303 = arith.constant 72 : i32
      %gt3A_304 = arith.cmpi sgt, %select_n3A_139, %gt3A_303 : i32
      %le3A_305 = arith.constant 97 : i32
      %le3A_306 = arith.cmpi sle, %select_n3A_139, %le3A_305 : i32
      %and3A_307 = arith.andi %gt3A_304, %le3A_306 : i1
      %convert_element_type3A_308 = arith.extui %and3A_307 : i1 to i32
      %cond3A_309 = arith.constant 0 : i32
      %cond3A_310 = arith.cmpi ne, %convert_element_type3A_308, %cond3A_309 : i32
      scf.if %cond3A_310 {
        %add3A_563 = arith.constant 0 : i32
        %add3A_564 = arith.addi %multiple_of3A_145, %add3A_563 : i32
        %add3A_565 = vector.broadcast %add3A_564 : i32 to vector<16xi32>
        %add3A_566 = arith.addi %add3A_565, %iota3A : vector<16xi32>
        %ge3A = vector.broadcast %add3A_117 : i32 to vector<16xi32>
        %ge3A_567 = arith.cmpi sge, %add3A_566, %ge3A : vector<16xi32>
        %get3A_568 = arith.index_cast %add3A_564 : i32 to index
        %get3A_569 = tpu.vector_load %arg9[%get3A_568] {strides = array<i32>} : memref<6208xf32, #tpu.memory_space<vmem>>, vector<16xf32>,
        %get3A_570 = vector.shape_cast %get3A_569 : vector<16xf32> to vector<16xf32>
        %jit3A_571 = arith.constant 0.000000e+00 : f32
        %broadcast_in_dim3A_572 = vector.broadcast %jit3A_571 : f32 to vector<16xf32>
        %select_n3A_573 = arith.select %ge3A_567, %broadcast_in_dim3A_572, %get3A_570 : vector<16xi1>, vector<16xf32>
        %swap3A_574 = arith.index_cast %add3A_564 : i32 to index
        %swap3A_575 = tpu.vector_load %arg9[%swap3A_574] {strides = array<i32>} : memref<6208xf32, #tpu.memory_space<vmem>>, vector<16xf32>,
        %swap3A_576 = vector.shape_cast %swap3A_575 : vector<16xf32> to vector<16xf32>
        %swap3A_577 = vector.shape_cast %select_n3A_573 : vector<16xf32> to vector<16xf32>
        tpu.vector_store %arg9[%swap3A_574], %swap3A_577 {strides = array<i32>} : memref<6208xf32, #tpu.memory_space<vmem>>, vector<16xf32>,
        %get3A_578 = arith.index_cast %add3A_564 : i32 to index
        %get3A_579 = tpu.vector_load %arg10[%get3A_578] {strides = array<i32>} : memref<6208xf32, #tpu.memory_space<vmem>>, vector<16xf32>,
        %get3A_580 = vector.shape_cast %get3A_579 : vector<16xf32> to vector<16xf32>
        %jit3A_581 = arith.constant 0.000000e+00 : f32
        %broadcast_in_dim3A_582 = vector.broadcast %jit3A_581 : f32 to vector<16xf32>
        %select_n3A_583 = arith.select %ge3A_567, %broadcast_in_dim3A_582, %get3A_580 : vector<16xi1>, vector<16xf32>
        %swap3A_584 = arith.index_cast %add3A_564 : i32 to index
        %swap3A_585 = tpu.vector_load %arg10[%swap3A_584] {strides = array<i32>} : memref<6208xf32, #tpu.memory_space<vmem>>, vector<16xf32>,
        %swap3A_586 = vector.shape_cast %swap3A_585 : vector<16xf32> to vector<16xf32>
        %swap3A_587 = vector.shape_cast %select_n3A_583 : vector<16xf32> to vector<16xf32>
        tpu.vector_store %arg10[%swap3A_584], %swap3A_587 {strides = array<i32>} : memref<6208xf32, #tpu.memory_space<vmem>>, vector<16xf32>,
        %add3A_588 = arith.constant 16 : i32
        %add3A_589 = arith.addi %multiple_of3A_145, %add3A_588 : i32
        %add3A_590 = vector.broadcast %add3A_589 : i32 to vector<16xi32>
        %add3A_591 = arith.addi %add3A_590, %iota3A : vector<16xi32>
        %ge3A_592 = vector.broadcast %add3A_117 : i32 to vector<16xi32>
        %ge3A_593 = arith.cmpi sge, %add3A_591, %ge3A_592 : vector<16xi32>
        %get3A_594 = arith.index_cast %add3A_589 : i32 to index
        %get3A_595 = tpu.vector_load %arg9[%get3A_594] {strides = array<i32>} : memref<6208xf32, #tpu.memory_space<vmem>>, vector<16xf32>,
        %get3A_596 = vector.shape_cast %get3A_595 : vector<16xf32> to vector<16xf32>
        %jit3A_597 = arith.constant 0.000000e+00 : f32
        %broadcast_in_dim3A_598 = vector.broadcast %jit3A_597 : f32 to vector<16xf32>
        %select_n3A_599 = arith.select %ge3A_593, %broadcast_in_dim3A_598, %get3A_596 : vector<16xi1>, vector<16xf32>
        %swap3A_600 = arith.index_cast %add3A_589 : i32 to index
        %swap3A_601 = tpu.vector_load %arg9[%swap3A_600] {strides = array<i32>} : memref<6208xf32, #tpu.memory_space<vmem>>, vector<16xf32>,
        %swap3A_602 = vector.shape_cast %swap3A_601 : vector<16xf32> to vector<16xf32>
        %swap3A_603 = vector.shape_cast %select_n3A_599 : vector<16xf32> to vector<16xf32>
        tpu.vector_store %arg9[%swap3A_600], %swap3A_603 {strides = array<i32>} : memref<6208xf32, #tpu.memory_space<vmem>>, vector<16xf32>,
        %get3A_604 = arith.index_cast %add3A_589 : i32 to index
        %get3A_605 = tpu.vector_load %arg10[%get3A_604] {strides = array<i32>} : memref<6208xf32, #tpu.memory_space<vmem>>, vector<16xf32>,
        %get3A_606 = vector.shape_cast %get3A_605 : vector<16xf32> to vector<16xf32>
        %jit3A_607 = arith.constant 0.000000e+00 : f32
        %broadcast_in_dim3A_608 = vector.broadcast %jit3A_607 : f32 to vector<16xf32>
        %select_n3A_609 = arith.select %ge3A_593, %broadcast_in_dim3A_608, %get3A_606 : vector<16xi1>, vector<16xf32>
        %swap3A_610 = arith.index_cast %add3A_589 : i32 to index
        %swap3A_611 = tpu.vector_load %arg10[%swap3A_610] {strides = array<i32>} : memref<6208xf32, #tpu.memory_space<vmem>>, vector<16xf32>,
        %swap3A_612 = vector.shape_cast %swap3A_611 : vector<16xf32> to vector<16xf32>
        %swap3A_613 = vector.shape_cast %select_n3A_609 : vector<16xf32> to vector<16xf32>
        tpu.vector_store %arg10[%swap3A_610], %swap3A_613 {strides = array<i32>} : memref<6208xf32, #tpu.memory_space<vmem>>, vector<16xf32>,
        %add3A_614 = arith.constant 32 : i32
        %add3A_615 = arith.addi %multiple_of3A_145, %add3A_614 : i32
        %add3A_616 = vector.broadcast %add3A_615 : i32 to vector<16xi32>
        %add3A_617 = arith.addi %add3A_616, %iota3A : vector<16xi32>
        %ge3A_618 = vector.broadcast %add3A_117 : i32 to vector<16xi32>
        %ge3A_619 = arith.cmpi sge, %add3A_617, %ge3A_618 : vector<16xi32>
        %get3A_620 = arith.index_cast %add3A_615 : i32 to index
        %get3A_621 = tpu.vector_load %arg9[%get3A_620] {strides = array<i32>} : memref<6208xf32, #tpu.memory_space<vmem>>, vector<16xf32>,
        %get3A_622 = vector.shape_cast %get3A_621 : vector<16xf32> to vector<16xf32>
        %jit3A_623 = arith.constant 0.000000e+00 : f32
        %broadcast_in_dim3A_624 = vector.broadcast %jit3A_623 : f32 to vector<16xf32>
        %select_n3A_625 = arith.select %ge3A_619, %broadcast_in_dim3A_624, %get3A_622 : vector<16xi1>, vector<16xf32>
        %swap3A_626 = arith.index_cast %add3A_615 : i32 to index
        %swap3A_627 = tpu.vector_load %arg9[%swap3A_626] {strides = array<i32>} : memref<6208xf32, #tpu.memory_space<vmem>>, vector<16xf32>,
        %swap3A_628 = vector.shape_cast %swap3A_627 : vector<16xf32> to vector<16xf32>
        %swap3A_629 = vector.shape_cast %select_n3A_625 : vector<16xf32> to vector<16xf32>
        tpu.vector_store %arg9[%swap3A_626], %swap3A_629 {strides = array<i32>} : memref<6208xf32, #tpu.memory_space<vmem>>, vector<16xf32>,
        %get3A_630 = arith.index_cast %add3A_615 : i32 to index
        %get3A_631 = tpu.vector_load %arg10[%get3A_630] {strides = array<i32>} : memref<6208xf32, #tpu.memory_space<vmem>>, vector<16xf32>,
        %get3A_632 = vector.shape_cast %get3A_631 : vector<16xf32> to vector<16xf32>
        %jit3A_633 = arith.constant 0.000000e+00 : f32
        %broadcast_in_dim3A_634 = vector.broadcast %jit3A_633 : f32 to vector<16xf32>
        %select_n3A_635 = arith.select %ge3A_619, %broadcast_in_dim3A_634, %get3A_632 : vector<16xi1>, vector<16xf32>
        %swap3A_636 = arith.index_cast %add3A_615 : i32 to index
        %swap3A_637 = tpu.vector_load %arg10[%swap3A_636] {strides = array<i32>} : memref<6208xf32, #tpu.memory_space<vmem>>, vector<16xf32>,
        %swap3A_638 = vector.shape_cast %swap3A_637 : vector<16xf32> to vector<16xf32>
        %swap3A_639 = vector.shape_cast %select_n3A_635 : vector<16xf32> to vector<16xf32>
        tpu.vector_store %arg10[%swap3A_636], %swap3A_639 {strides = array<i32>} : memref<6208xf32, #tpu.memory_space<vmem>>, vector<16xf32>,
        %add3A_640 = arith.constant 48 : i32
        %add3A_641 = arith.addi %multiple_of3A_145, %add3A_640 : i32
        %add3A_642 = vector.broadcast %add3A_641 : i32 to vector<16xi32>
        %add3A_643 = arith.addi %add3A_642, %iota3A : vector<16xi32>
        %ge3A_644 = vector.broadcast %add3A_117 : i32 to vector<16xi32>
        %ge3A_645 = arith.cmpi sge, %add3A_643, %ge3A_644 : vector<16xi32>
        %get3A_646 = arith.index_cast %add3A_641 : i32 to index
        %get3A_647 = tpu.vector_load %arg9[%get3A_646] {strides = array<i32>} : memref<6208xf32, #tpu.memory_space<vmem>>, vector<16xf32>,
        %get3A_648 = vector.shape_cast %get3A_647 : vector<16xf32> to vector<16xf32>
        %jit3A_649 = arith.constant 0.000000e+00 : f32
        %broadcast_in_dim3A_650 = vector.broadcast %jit3A_649 : f32 to vector<16xf32>
        %select_n3A_651 = arith.select %ge3A_645, %broadcast_in_dim3A_650, %get3A_648 : vector<16xi1>, vector<16xf32>
        %swap3A_652 = arith.index_cast %add3A_641 : i32 to index
        %swap3A_653 = tpu.vector_load %arg9[%swap3A_652] {strides = array<i32>} : memref<6208xf32, #tpu.memory_space<vmem>>, vector<16xf32>,
        %swap3A_654 = vector.shape_cast %swap3A_653 : vector<16xf32> to vector<16xf32>
        %swap3A_655 = vector.shape_cast %select_n3A_651 : vector<16xf32> to vector<16xf32>
        tpu.vector_store %arg9[%swap3A_652], %swap3A_655 {strides = array<i32>} : memref<6208xf32, #tpu.memory_space<vmem>>, vector<16xf32>,
        %get3A_656 = arith.index_cast %add3A_641 : i32 to index
        %get3A_657 = tpu.vector_load %arg10[%get3A_656] {strides = array<i32>} : memref<6208xf32, #tpu.memory_space<vmem>>, vector<16xf32>,
        %get3A_658 = vector.shape_cast %get3A_657 : vector<16xf32> to vector<16xf32>
        %jit3A_659 = arith.constant 0.000000e+00 : f32
        %broadcast_in_dim3A_660 = vector.broadcast %jit3A_659 : f32 to vector<16xf32>
        %select_n3A_661 = arith.select %ge3A_645, %broadcast_in_dim3A_660, %get3A_658 : vector<16xi1>, vector<16xf32>
        %swap3A_662 = arith.index_cast %add3A_641 : i32 to index
        %swap3A_663 = tpu.vector_load %arg10[%swap3A_662] {strides = array<i32>} : memref<6208xf32, #tpu.memory_space<vmem>>, vector<16xf32>,
        %swap3A_664 = vector.shape_cast %swap3A_663 : vector<16xf32> to vector<16xf32>
        %swap3A_665 = vector.shape_cast %select_n3A_661 : vector<16xf32> to vector<16xf32>
        tpu.vector_store %arg10[%swap3A_662], %swap3A_665 {strides = array<i32>} : memref<6208xf32, #tpu.memory_space<vmem>>, vector<16xf32>,
      } else {
      }
      %jit3A_311 = arith.constant 72 : i32
      %jit3A_312 = arith.constant 97 : i32
      %max3A_313 = arith.maxsi %jit3A_311, %select_n3A_139 : i32
      %min3A_314 = arith.minsi %jit3A_312, %max3A_313 : i32
      %while3A_315 = arith.constant 72 : i32
      %while3A_316 = arith.subi %min3A_314, %while3A_315 : i32
      %while3A_317 = arith.addi %while3A_315, %while3A_316 : i32
      %while3A_318 = arith.constant 1 : i32
      %while3A_319 = arith.divsi %while3A_316, %while3A_318 : i32
      %while3A_320 = arith.muli %while3A_319, %while3A_318 : i32
      %while3A_321 = arith.addi %while3A_315, %while3A_320 : i32
      %while3A_322 = arith.constant 1 : i32
      %while3A_323:12 = scf.for %while3A_563 = %while3A_315 to %while3A_321 step %while3A_322 iter_args(%while3A_564 = %while3A_284#0, %while3A_565 = %while3A_284#1, %while3A_566 = %while3A_284#2, %while3A_567 = %while3A_284#3, %while3A_568 = %while3A_284#4, %while3A_569 = %while3A_284#5, %while3A_570 = %while3A_284#6, %while3A_571 = %while3A_284#7, %while3A_572 = %while3A_284#8, %while3A_573 = %while3A_284#9, %while3A_574 = %while3A_284#10, %while3A_575 = %while3A_284#11) -> (vector<16xf32>, vector<16xf32>, vector<16xf32>, vector<16xf32>, vector<16xf32>, vector<16xf32>, vector<16xf32>, vector<16xf32>, vector<16xf32>, vector<16xf32>, vector<16xf32>, vector<16xf32>)  : i32 {
        %mul3A_576 = arith.constant 64 : i32
        %mul3A_577 = arith.muli %while3A_563, %mul3A_576 : i32
        %multiple_of3A_578 = tpu.assume_multiple %mul3A_577, 16 : i32
        %add3A_579 = arith.constant 0 : i32
        %add3A_580 = arith.addi %multiple_of3A_578, %add3A_579 : i32
        %get3A_581 = arith.index_cast %add3A_580 : i32 to index
        %get3A_582 = tpu.vector_load %arg9[%get3A_581] {strides = array<i32>} : memref<6208xf32, #tpu.memory_space<vmem>>, vector<16xf32>,
        %get3A_583 = vector.shape_cast %get3A_582 : vector<16xf32> to vector<16xf32>
        %get3A_584 = arith.index_cast %add3A_580 : i32 to index
        %get3A_585 = tpu.vector_load %arg10[%get3A_584] {strides = array<i32>} : memref<6208xf32, #tpu.memory_space<vmem>>, vector<16xf32>,
        %get3A_586 = vector.shape_cast %get3A_585 : vector<16xf32> to vector<16xf32>
        %mul3A_587 = arith.mulf %get3A_583, %get3A_586 : vector<16xf32>
        %add3A_588 = arith.addf %while3A_564, %mul3A_587 : vector<16xf32>
        %mul3A_589 = arith.mulf %get3A_583, %get3A_583 : vector<16xf32>
        %add3A_590 = arith.addf %while3A_565, %mul3A_589 : vector<16xf32>
        %mul3A_591 = arith.mulf %get3A_586, %get3A_586 : vector<16xf32>
        %add3A_592 = arith.addf %while3A_566, %mul3A_591 : vector<16xf32>
        %add3A_593 = arith.constant 16 : i32
        %add3A_594 = arith.addi %multiple_of3A_578, %add3A_593 : i32
        %get3A_595 = arith.index_cast %add3A_594 : i32 to index
        %get3A_596 = tpu.vector_load %arg9[%get3A_595] {strides = array<i32>} : memref<6208xf32, #tpu.memory_space<vmem>>, vector<16xf32>,
        %get3A_597 = vector.shape_cast %get3A_596 : vector<16xf32> to vector<16xf32>
        %get3A_598 = arith.index_cast %add3A_594 : i32 to index
        %get3A_599 = tpu.vector_load %arg10[%get3A_598] {strides = array<i32>} : memref<6208xf32, #tpu.memory_space<vmem>>, vector<16xf32>,
        %get3A_600 = vector.shape_cast %get3A_599 : vector<16xf32> to vector<16xf32>
        %mul3A_601 = arith.mulf %get3A_597, %get3A_600 : vector<16xf32>
        %add3A_602 = arith.addf %while3A_567, %mul3A_601 : vector<16xf32>
        %mul3A_603 = arith.mulf %get3A_597, %get3A_597 : vector<16xf32>
        %add3A_604 = arith.addf %while3A_568, %mul3A_603 : vector<16xf32>
        %mul3A_605 = arith.mulf %get3A_600, %get3A_600 : vector<16xf32>
        %add3A_606 = arith.addf %while3A_569, %mul3A_605 : vector<16xf32>
        %add3A_607 = arith.constant 32 : i32
        %add3A_608 = arith.addi %multiple_of3A_578, %add3A_607 : i32
        %get3A_609 = arith.index_cast %add3A_608 : i32 to index
        %get3A_610 = tpu.vector_load %arg9[%get3A_609] {strides = array<i32>} : memref<6208xf32, #tpu.memory_space<vmem>>, vector<16xf32>,
        %get3A_611 = vector.shape_cast %get3A_610 : vector<16xf32> to vector<16xf32>
        %get3A_612 = arith.index_cast %add3A_608 : i32 to index
        %get3A_613 = tpu.vector_load %arg10[%get3A_612] {strides = array<i32>} : memref<6208xf32, #tpu.memory_space<vmem>>, vector<16xf32>,
        %get3A_614 = vector.shape_cast %get3A_613 : vector<16xf32> to vector<16xf32>
        %mul3A_615 = arith.mulf %get3A_611, %get3A_614 : vector<16xf32>
        %add3A_616 = arith.addf %while3A_570, %mul3A_615 : vector<16xf32>
        %mul3A_617 = arith.mulf %get3A_611, %get3A_611 : vector<16xf32>
        %add3A_618 = arith.addf %while3A_571, %mul3A_617 : vector<16xf32>
        %mul3A_619 = arith.mulf %get3A_614, %get3A_614 : vector<16xf32>
        %add3A_620 = arith.addf %while3A_572, %mul3A_619 : vector<16xf32>
        %add3A_621 = arith.constant 48 : i32
        %add3A_622 = arith.addi %multiple_of3A_578, %add3A_621 : i32
        %get3A_623 = arith.index_cast %add3A_622 : i32 to index
        %get3A_624 = tpu.vector_load %arg9[%get3A_623] {strides = array<i32>} : memref<6208xf32, #tpu.memory_space<vmem>>, vector<16xf32>,
        %get3A_625 = vector.shape_cast %get3A_624 : vector<16xf32> to vector<16xf32>
        %get3A_626 = arith.index_cast %add3A_622 : i32 to index
        %get3A_627 = tpu.vector_load %arg10[%get3A_626] {strides = array<i32>} : memref<6208xf32, #tpu.memory_space<vmem>>, vector<16xf32>,
        %get3A_628 = vector.shape_cast %get3A_627 : vector<16xf32> to vector<16xf32>
        %mul3A_629 = arith.mulf %get3A_625, %get3A_628 : vector<16xf32>
        %add3A_630 = arith.addf %while3A_573, %mul3A_629 : vector<16xf32>
        %mul3A_631 = arith.mulf %get3A_625, %get3A_625 : vector<16xf32>
        %add3A_632 = arith.addf %while3A_574, %mul3A_631 : vector<16xf32>
        %mul3A_633 = arith.mulf %get3A_628, %get3A_628 : vector<16xf32>
        %add3A_634 = arith.addf %while3A_575, %mul3A_633 : vector<16xf32>
        scf.yield %add3A_588, %add3A_590, %add3A_592, %add3A_602, %add3A_604, %add3A_606, %add3A_616, %add3A_618, %add3A_620, %add3A_630, %add3A_632, %add3A_634 : vector<16xf32>, vector<16xf32>, vector<16xf32>, vector<16xf32>, vector<16xf32>, vector<16xf32>, vector<16xf32>, vector<16xf32>, vector<16xf32>, vector<16xf32>, vector<16xf32>, vector<16xf32>
      }
      %while3A_324 = arith.constant 1 : i32
      %while3A_325:12 = scf.for %while3A_563 = %while3A_321 to %while3A_317 step %while3A_324 iter_args(%while3A_564 = %while3A_323#0, %while3A_565 = %while3A_323#1, %while3A_566 = %while3A_323#2, %while3A_567 = %while3A_323#3, %while3A_568 = %while3A_323#4, %while3A_569 = %while3A_323#5, %while3A_570 = %while3A_323#6, %while3A_571 = %while3A_323#7, %while3A_572 = %while3A_323#8, %while3A_573 = %while3A_323#9, %while3A_574 = %while3A_323#10, %while3A_575 = %while3A_323#11) -> (vector<16xf32>, vector<16xf32>, vector<16xf32>, vector<16xf32>, vector<16xf32>, vector<16xf32>, vector<16xf32>, vector<16xf32>, vector<16xf32>, vector<16xf32>, vector<16xf32>, vector<16xf32>)  : i32 {
        %mul3A_576 = arith.constant 64 : i32
        %mul3A_577 = arith.muli %while3A_563, %mul3A_576 : i32
        %multiple_of3A_578 = tpu.assume_multiple %mul3A_577, 16 : i32
        %add3A_579 = arith.constant 0 : i32
        %add3A_580 = arith.addi %multiple_of3A_578, %add3A_579 : i32
        %get3A_581 = arith.index_cast %add3A_580 : i32 to index
        %get3A_582 = tpu.vector_load %arg9[%get3A_581] {strides = array<i32>} : memref<6208xf32, #tpu.memory_space<vmem>>, vector<16xf32>,
        %get3A_583 = vector.shape_cast %get3A_582 : vector<16xf32> to vector<16xf32>
        %get3A_584 = arith.index_cast %add3A_580 : i32 to index
        %get3A_585 = tpu.vector_load %arg10[%get3A_584] {strides = array<i32>} : memref<6208xf32, #tpu.memory_space<vmem>>, vector<16xf32>,
        %get3A_586 = vector.shape_cast %get3A_585 : vector<16xf32> to vector<16xf32>
        %mul3A_587 = arith.mulf %get3A_583, %get3A_586 : vector<16xf32>
        %add3A_588 = arith.addf %while3A_564, %mul3A_587 : vector<16xf32>
        %mul3A_589 = arith.mulf %get3A_583, %get3A_583 : vector<16xf32>
        %add3A_590 = arith.addf %while3A_565, %mul3A_589 : vector<16xf32>
        %mul3A_591 = arith.mulf %get3A_586, %get3A_586 : vector<16xf32>
        %add3A_592 = arith.addf %while3A_566, %mul3A_591 : vector<16xf32>
        %add3A_593 = arith.constant 16 : i32
        %add3A_594 = arith.addi %multiple_of3A_578, %add3A_593 : i32
        %get3A_595 = arith.index_cast %add3A_594 : i32 to index
        %get3A_596 = tpu.vector_load %arg9[%get3A_595] {strides = array<i32>} : memref<6208xf32, #tpu.memory_space<vmem>>, vector<16xf32>,
        %get3A_597 = vector.shape_cast %get3A_596 : vector<16xf32> to vector<16xf32>
        %get3A_598 = arith.index_cast %add3A_594 : i32 to index
        %get3A_599 = tpu.vector_load %arg10[%get3A_598] {strides = array<i32>} : memref<6208xf32, #tpu.memory_space<vmem>>, vector<16xf32>,
        %get3A_600 = vector.shape_cast %get3A_599 : vector<16xf32> to vector<16xf32>
        %mul3A_601 = arith.mulf %get3A_597, %get3A_600 : vector<16xf32>
        %add3A_602 = arith.addf %while3A_567, %mul3A_601 : vector<16xf32>
        %mul3A_603 = arith.mulf %get3A_597, %get3A_597 : vector<16xf32>
        %add3A_604 = arith.addf %while3A_568, %mul3A_603 : vector<16xf32>
        %mul3A_605 = arith.mulf %get3A_600, %get3A_600 : vector<16xf32>
        %add3A_606 = arith.addf %while3A_569, %mul3A_605 : vector<16xf32>
        %add3A_607 = arith.constant 32 : i32
        %add3A_608 = arith.addi %multiple_of3A_578, %add3A_607 : i32
        %get3A_609 = arith.index_cast %add3A_608 : i32 to index
        %get3A_610 = tpu.vector_load %arg9[%get3A_609] {strides = array<i32>} : memref<6208xf32, #tpu.memory_space<vmem>>, vector<16xf32>,
        %get3A_611 = vector.shape_cast %get3A_610 : vector<16xf32> to vector<16xf32>
        %get3A_612 = arith.index_cast %add3A_608 : i32 to index
        %get3A_613 = tpu.vector_load %arg10[%get3A_612] {strides = array<i32>} : memref<6208xf32, #tpu.memory_space<vmem>>, vector<16xf32>,
        %get3A_614 = vector.shape_cast %get3A_613 : vector<16xf32> to vector<16xf32>
        %mul3A_615 = arith.mulf %get3A_611, %get3A_614 : vector<16xf32>
        %add3A_616 = arith.addf %while3A_570, %mul3A_615 : vector<16xf32>
        %mul3A_617 = arith.mulf %get3A_611, %get3A_611 : vector<16xf32>
        %add3A_618 = arith.addf %while3A_571, %mul3A_617 : vector<16xf32>
        %mul3A_619 = arith.mulf %get3A_614, %get3A_614 : vector<16xf32>
        %add3A_620 = arith.addf %while3A_572, %mul3A_619 : vector<16xf32>
        %add3A_621 = arith.constant 48 : i32
        %add3A_622 = arith.addi %multiple_of3A_578, %add3A_621 : i32
        %get3A_623 = arith.index_cast %add3A_622 : i32 to index
        %get3A_624 = tpu.vector_load %arg9[%get3A_623] {strides = array<i32>} : memref<6208xf32, #tpu.memory_space<vmem>>, vector<16xf32>,
        %get3A_625 = vector.shape_cast %get3A_624 : vector<16xf32> to vector<16xf32>
        %get3A_626 = arith.index_cast %add3A_622 : i32 to index
        %get3A_627 = tpu.vector_load %arg10[%get3A_626] {strides = array<i32>} : memref<6208xf32, #tpu.memory_space<vmem>>, vector<16xf32>,
        %get3A_628 = vector.shape_cast %get3A_627 : vector<16xf32> to vector<16xf32>
        %mul3A_629 = arith.mulf %get3A_625, %get3A_628 : vector<16xf32>
        %add3A_630 = arith.addf %while3A_573, %mul3A_629 : vector<16xf32>
        %mul3A_631 = arith.mulf %get3A_625, %get3A_625 : vector<16xf32>
        %add3A_632 = arith.addf %while3A_574, %mul3A_631 : vector<16xf32>
        %mul3A_633 = arith.mulf %get3A_628, %get3A_628 : vector<16xf32>
        %add3A_634 = arith.addf %while3A_575, %mul3A_633 : vector<16xf32>
        scf.yield %add3A_588, %add3A_590, %add3A_592, %add3A_602, %add3A_604, %add3A_606, %add3A_616, %add3A_618, %add3A_620, %add3A_630, %add3A_632, %add3A_634 : vector<16xf32>, vector<16xf32>, vector<16xf32>, vector<16xf32>, vector<16xf32>, vector<16xf32>, vector<16xf32>, vector<16xf32>, vector<16xf32>, vector<16xf32>, vector<16xf32>, vector<16xf32>
      }
      %add3A_326 = arith.addf %while3A_325#0, %while3A_325#3 : vector<16xf32>
      %add3A_327 = arith.addf %while3A_325#6, %while3A_325#9 : vector<16xf32>
      %add3A_328 = arith.addf %add3A_326, %add3A_327 : vector<16xf32>
      %add3A_329 = arith.addf %while3A_325#1, %while3A_325#4 : vector<16xf32>
      %add3A_330 = arith.addf %while3A_325#7, %while3A_325#10 : vector<16xf32>
      %add3A_331 = arith.addf %add3A_329, %add3A_330 : vector<16xf32>
      %add3A_332 = arith.addf %while3A_325#2, %while3A_325#5 : vector<16xf32>
      %add3A_333 = arith.addf %while3A_325#8, %while3A_325#11 : vector<16xf32>
      %add3A_334 = arith.addf %add3A_332, %add3A_333 : vector<16xf32>
      %xor3A = arith.constant 8 : i32
      %xor3A_335 = vector.broadcast %xor3A : i32 to vector<16xi32>
      %xor3A_336 = arith.xori %iota3A, %xor3A_335 : vector<16xi32>
      %lt3A_337 = arith.constant 0 : i32
      %lt3A_338 = vector.broadcast %lt3A_337 : i32 to vector<16xi32>
      %lt3A_339 = arith.cmpi slt, %xor3A_336, %lt3A_338 : vector<16xi32>
      %add3A_340 = arith.constant 16 : i32
      %add3A_341 = vector.broadcast %add3A_340 : i32 to vector<16xi32>
      %add3A_342 = arith.addi %xor3A_336, %add3A_341 : vector<16xi32>
      %select_n3A_343 = arith.select %lt3A_339, %add3A_342, %xor3A_336 : vector<16xi1>, vector<16xi32>
      %broadcast_in_dim3A_344 = vector.shape_cast %select_n3A_343 : vector<16xi32> to vector<16x1xi32>
      %gather3A_345 = vector.shape_cast %broadcast_in_dim3A_344 : vector<16x1xi32> to vector<16xi32>
      %gather3A_346 = tpu.dynamic_gather %add3A_328[%gather3A_345] in [0] : vector<16xf32>, vector<16xi32> -> vector<16xf32>
      %add3A_347 = arith.addf %add3A_328, %gather3A_346 : vector<16xf32>
      %xor3A_348 = arith.constant 4 : i32
      %xor3A_349 = vector.broadcast %xor3A_348 : i32 to vector<16xi32>
      %xor3A_350 = arith.xori %iota3A, %xor3A_349 : vector<16xi32>
      %lt3A_351 = arith.constant 0 : i32
      %lt3A_352 = vector.broadcast %lt3A_351 : i32 to vector<16xi32>
      %lt3A_353 = arith.cmpi slt, %xor3A_350, %lt3A_352 : vector<16xi32>
      %add3A_354 = arith.constant 16 : i32
      %add3A_355 = vector.broadcast %add3A_354 : i32 to vector<16xi32>
      %add3A_356 = arith.addi %xor3A_350, %add3A_355 : vector<16xi32>
      %select_n3A_357 = arith.select %lt3A_353, %add3A_356, %xor3A_350 : vector<16xi1>, vector<16xi32>
      %broadcast_in_dim3A_358 = vector.shape_cast %select_n3A_357 : vector<16xi32> to vector<16x1xi32>
      %gather3A_359 = vector.shape_cast %broadcast_in_dim3A_358 : vector<16x1xi32> to vector<16xi32>
      %gather3A_360 = tpu.dynamic_gather %add3A_347[%gather3A_359] in [0] : vector<16xf32>, vector<16xi32> -> vector<16xf32>
      %add3A_361 = arith.addf %add3A_347, %gather3A_360 : vector<16xf32>
      %xor3A_362 = arith.constant 2 : i32
      %xor3A_363 = vector.broadcast %xor3A_362 : i32 to vector<16xi32>
      %xor3A_364 = arith.xori %iota3A, %xor3A_363 : vector<16xi32>
      %lt3A_365 = arith.constant 0 : i32
      %lt3A_366 = vector.broadcast %lt3A_365 : i32 to vector<16xi32>
      %lt3A_367 = arith.cmpi slt, %xor3A_364, %lt3A_366 : vector<16xi32>
      %add3A_368 = arith.constant 16 : i32
      %add3A_369 = vector.broadcast %add3A_368 : i32 to vector<16xi32>
      %add3A_370 = arith.addi %xor3A_364, %add3A_369 : vector<16xi32>
      %select_n3A_371 = arith.select %lt3A_367, %add3A_370, %xor3A_364 : vector<16xi1>, vector<16xi32>
      %broadcast_in_dim3A_372 = vector.shape_cast %select_n3A_371 : vector<16xi32> to vector<16x1xi32>
      %gather3A_373 = vector.shape_cast %broadcast_in_dim3A_372 : vector<16x1xi32> to vector<16xi32>
      %gather3A_374 = tpu.dynamic_gather %add3A_361[%gather3A_373] in [0] : vector<16xf32>, vector<16xi32> -> vector<16xf32>
      %add3A_375 = arith.addf %add3A_361, %gather3A_374 : vector<16xf32>
      %xor3A_376 = arith.constant 1 : i32
      %xor3A_377 = vector.broadcast %xor3A_376 : i32 to vector<16xi32>
      %xor3A_378 = arith.xori %iota3A, %xor3A_377 : vector<16xi32>
      %lt3A_379 = arith.constant 0 : i32
      %lt3A_380 = vector.broadcast %lt3A_379 : i32 to vector<16xi32>
      %lt3A_381 = arith.cmpi slt, %xor3A_378, %lt3A_380 : vector<16xi32>
      %add3A_382 = arith.constant 16 : i32
      %add3A_383 = vector.broadcast %add3A_382 : i32 to vector<16xi32>
      %add3A_384 = arith.addi %xor3A_378, %add3A_383 : vector<16xi32>
      %select_n3A_385 = arith.select %lt3A_381, %add3A_384, %xor3A_378 : vector<16xi1>, vector<16xi32>
      %broadcast_in_dim3A_386 = vector.shape_cast %select_n3A_385 : vector<16xi32> to vector<16x1xi32>
      %gather3A_387 = vector.shape_cast %broadcast_in_dim3A_386 : vector<16x1xi32> to vector<16xi32>
      %gather3A_388 = tpu.dynamic_gather %add3A_375[%gather3A_387] in [0] : vector<16xf32>, vector<16xi32> -> vector<16xf32>
      %add3A_389 = arith.addf %add3A_375, %gather3A_388 : vector<16xf32>
      %xor3A_390 = arith.constant 8 : i32
      %xor3A_391 = vector.broadcast %xor3A_390 : i32 to vector<16xi32>
      %xor3A_392 = arith.xori %iota3A, %xor3A_391 : vector<16xi32>
      %lt3A_393 = arith.constant 0 : i32
      %lt3A_394 = vector.broadcast %lt3A_393 : i32 to vector<16xi32>
      %lt3A_395 = arith.cmpi slt, %xor3A_392, %lt3A_394 : vector<16xi32>
      %add3A_396 = arith.constant 16 : i32
      %add3A_397 = vector.broadcast %add3A_396 : i32 to vector<16xi32>
      %add3A_398 = arith.addi %xor3A_392, %add3A_397 : vector<16xi32>
      %select_n3A_399 = arith.select %lt3A_395, %add3A_398, %xor3A_392 : vector<16xi1>, vector<16xi32>
      %broadcast_in_dim3A_400 = vector.shape_cast %select_n3A_399 : vector<16xi32> to vector<16x1xi32>
      %gather3A_401 = vector.shape_cast %broadcast_in_dim3A_400 : vector<16x1xi32> to vector<16xi32>
      %gather3A_402 = tpu.dynamic_gather %add3A_331[%gather3A_401] in [0] : vector<16xf32>, vector<16xi32> -> vector<16xf32>
      %add3A_403 = arith.addf %add3A_331, %gather3A_402 : vector<16xf32>
      %xor3A_404 = arith.constant 4 : i32
      %xor3A_405 = vector.broadcast %xor3A_404 : i32 to vector<16xi32>
      %xor3A_406 = arith.xori %iota3A, %xor3A_405 : vector<16xi32>
      %lt3A_407 = arith.constant 0 : i32
      %lt3A_408 = vector.broadcast %lt3A_407 : i32 to vector<16xi32>
      %lt3A_409 = arith.cmpi slt, %xor3A_406, %lt3A_408 : vector<16xi32>
      %add3A_410 = arith.constant 16 : i32
      %add3A_411 = vector.broadcast %add3A_410 : i32 to vector<16xi32>
      %add3A_412 = arith.addi %xor3A_406, %add3A_411 : vector<16xi32>
      %select_n3A_413 = arith.select %lt3A_409, %add3A_412, %xor3A_406 : vector<16xi1>, vector<16xi32>
      %broadcast_in_dim3A_414 = vector.shape_cast %select_n3A_413 : vector<16xi32> to vector<16x1xi32>
      %gather3A_415 = vector.shape_cast %broadcast_in_dim3A_414 : vector<16x1xi32> to vector<16xi32>
      %gather3A_416 = tpu.dynamic_gather %add3A_403[%gather3A_415] in [0] : vector<16xf32>, vector<16xi32> -> vector<16xf32>
      %add3A_417 = arith.addf %add3A_403, %gather3A_416 : vector<16xf32>
      %xor3A_418 = arith.constant 2 : i32
      %xor3A_419 = vector.broadcast %xor3A_418 : i32 to vector<16xi32>
      %xor3A_420 = arith.xori %iota3A, %xor3A_419 : vector<16xi32>
      %lt3A_421 = arith.constant 0 : i32
      %lt3A_422 = vector.broadcast %lt3A_421 : i32 to vector<16xi32>
      %lt3A_423 = arith.cmpi slt, %xor3A_420, %lt3A_422 : vector<16xi32>
      %add3A_424 = arith.constant 16 : i32
      %add3A_425 = vector.broadcast %add3A_424 : i32 to vector<16xi32>
      %add3A_426 = arith.addi %xor3A_420, %add3A_425 : vector<16xi32>
      %select_n3A_427 = arith.select %lt3A_423, %add3A_426, %xor3A_420 : vector<16xi1>, vector<16xi32>
      %broadcast_in_dim3A_428 = vector.shape_cast %select_n3A_427 : vector<16xi32> to vector<16x1xi32>
      %gather3A_429 = vector.shape_cast %broadcast_in_dim3A_428 : vector<16x1xi32> to vector<16xi32>
      %gather3A_430 = tpu.dynamic_gather %add3A_417[%gather3A_429] in [0] : vector<16xf32>, vector<16xi32> -> vector<16xf32>
      %add3A_431 = arith.addf %add3A_417, %gather3A_430 : vector<16xf32>
      %xor3A_432 = arith.constant 1 : i32
      %xor3A_433 = vector.broadcast %xor3A_432 : i32 to vector<16xi32>
      %xor3A_434 = arith.xori %iota3A, %xor3A_433 : vector<16xi32>
      %lt3A_435 = arith.constant 0 : i32
      %lt3A_436 = vector.broadcast %lt3A_435 : i32 to vector<16xi32>
      %lt3A_437 = arith.cmpi slt, %xor3A_434, %lt3A_436 : vector<16xi32>
      %add3A_438 = arith.constant 16 : i32
      %add3A_439 = vector.broadcast %add3A_438 : i32 to vector<16xi32>
      %add3A_440 = arith.addi %xor3A_434, %add3A_439 : vector<16xi32>
      %select_n3A_441 = arith.select %lt3A_437, %add3A_440, %xor3A_434 : vector<16xi1>, vector<16xi32>
      %broadcast_in_dim3A_442 = vector.shape_cast %select_n3A_441 : vector<16xi32> to vector<16x1xi32>
      %gather3A_443 = vector.shape_cast %broadcast_in_dim3A_442 : vector<16x1xi32> to vector<16xi32>
      %gather3A_444 = tpu.dynamic_gather %add3A_431[%gather3A_443] in [0] : vector<16xf32>, vector<16xi32> -> vector<16xf32>
      %add3A_445 = arith.addf %add3A_431, %gather3A_444 : vector<16xf32>
      %add3A_446 = arith.constant 9.99999996E-13 : f32
      %add3A_447 = vector.broadcast %add3A_446 : f32 to vector<16xf32>
      %add3A_448 = arith.addf %add3A_445, %add3A_447 : vector<16xf32>
      %xor3A_449 = arith.constant 8 : i32
      %xor3A_450 = vector.broadcast %xor3A_449 : i32 to vector<16xi32>
      %xor3A_451 = arith.xori %iota3A, %xor3A_450 : vector<16xi32>
      %lt3A_452 = arith.constant 0 : i32
      %lt3A_453 = vector.broadcast %lt3A_452 : i32 to vector<16xi32>
      %lt3A_454 = arith.cmpi slt, %xor3A_451, %lt3A_453 : vector<16xi32>
      %add3A_455 = arith.constant 16 : i32
      %add3A_456 = vector.broadcast %add3A_455 : i32 to vector<16xi32>
      %add3A_457 = arith.addi %xor3A_451, %add3A_456 : vector<16xi32>
      %select_n3A_458 = arith.select %lt3A_454, %add3A_457, %xor3A_451 : vector<16xi1>, vector<16xi32>
      %broadcast_in_dim3A_459 = vector.shape_cast %select_n3A_458 : vector<16xi32> to vector<16x1xi32>
      %gather3A_460 = vector.shape_cast %broadcast_in_dim3A_459 : vector<16x1xi32> to vector<16xi32>
      %gather3A_461 = tpu.dynamic_gather %add3A_334[%gather3A_460] in [0] : vector<16xf32>, vector<16xi32> -> vector<16xf32>
      %add3A_462 = arith.addf %add3A_334, %gather3A_461 : vector<16xf32>
      %xor3A_463 = arith.constant 4 : i32
      %xor3A_464 = vector.broadcast %xor3A_463 : i32 to vector<16xi32>
      %xor3A_465 = arith.xori %iota3A, %xor3A_464 : vector<16xi32>
      %lt3A_466 = arith.constant 0 : i32
      %lt3A_467 = vector.broadcast %lt3A_466 : i32 to vector<16xi32>
      %lt3A_468 = arith.cmpi slt, %xor3A_465, %lt3A_467 : vector<16xi32>
      %add3A_469 = arith.constant 16 : i32
      %add3A_470 = vector.broadcast %add3A_469 : i32 to vector<16xi32>
      %add3A_471 = arith.addi %xor3A_465, %add3A_470 : vector<16xi32>
      %select_n3A_472 = arith.select %lt3A_468, %add3A_471, %xor3A_465 : vector<16xi1>, vector<16xi32>
      %broadcast_in_dim3A_473 = vector.shape_cast %select_n3A_472 : vector<16xi32> to vector<16x1xi32>
      %gather3A_474 = vector.shape_cast %broadcast_in_dim3A_473 : vector<16x1xi32> to vector<16xi32>
      %gather3A_475 = tpu.dynamic_gather %add3A_462[%gather3A_474] in [0] : vector<16xf32>, vector<16xi32> -> vector<16xf32>
      %add3A_476 = arith.addf %add3A_462, %gather3A_475 : vector<16xf32>
      %xor3A_477 = arith.constant 2 : i32
      %xor3A_478 = vector.broadcast %xor3A_477 : i32 to vector<16xi32>
      %xor3A_479 = arith.xori %iota3A, %xor3A_478 : vector<16xi32>
      %lt3A_480 = arith.constant 0 : i32
      %lt3A_481 = vector.broadcast %lt3A_480 : i32 to vector<16xi32>
      %lt3A_482 = arith.cmpi slt, %xor3A_479, %lt3A_481 : vector<16xi32>
      %add3A_483 = arith.constant 16 : i32
      %add3A_484 = vector.broadcast %add3A_483 : i32 to vector<16xi32>
      %add3A_485 = arith.addi %xor3A_479, %add3A_484 : vector<16xi32>
      %select_n3A_486 = arith.select %lt3A_482, %add3A_485, %xor3A_479 : vector<16xi1>, vector<16xi32>
      %broadcast_in_dim3A_487 = vector.shape_cast %select_n3A_486 : vector<16xi32> to vector<16x1xi32>
      %gather3A_488 = vector.shape_cast %broadcast_in_dim3A_487 : vector<16x1xi32> to vector<16xi32>
      %gather3A_489 = tpu.dynamic_gather %add3A_476[%gather3A_488] in [0] : vector<16xf32>, vector<16xi32> -> vector<16xf32>
      %add3A_490 = arith.addf %add3A_476, %gather3A_489 : vector<16xf32>
      %xor3A_491 = arith.constant 1 : i32
      %xor3A_492 = vector.broadcast %xor3A_491 : i32 to vector<16xi32>
      %xor3A_493 = arith.xori %iota3A, %xor3A_492 : vector<16xi32>
      %lt3A_494 = arith.constant 0 : i32
      %lt3A_495 = vector.broadcast %lt3A_494 : i32 to vector<16xi32>
      %lt3A_496 = arith.cmpi slt, %xor3A_493, %lt3A_495 : vector<16xi32>
      %add3A_497 = arith.constant 16 : i32
      %add3A_498 = vector.broadcast %add3A_497 : i32 to vector<16xi32>
      %add3A_499 = arith.addi %xor3A_493, %add3A_498 : vector<16xi32>
      %select_n3A_500 = arith.select %lt3A_496, %add3A_499, %xor3A_493 : vector<16xi1>, vector<16xi32>
      %broadcast_in_dim3A_501 = vector.shape_cast %select_n3A_500 : vector<16xi32> to vector<16x1xi32>
      %gather3A_502 = vector.shape_cast %broadcast_in_dim3A_501 : vector<16x1xi32> to vector<16xi32>
      %gather3A_503 = tpu.dynamic_gather %add3A_490[%gather3A_502] in [0] : vector<16xf32>, vector<16xi32> -> vector<16xf32>
      %add3A_504 = arith.addf %add3A_490, %gather3A_503 : vector<16xf32>
      %add3A_505 = arith.constant 9.99999996E-13 : f32
      %add3A_506 = vector.broadcast %add3A_505 : f32 to vector<16xf32>
      %add3A_507 = arith.addf %add3A_504, %add3A_506 : vector<16xf32>
      %slice3A_508 = vector.extract_strided_slice %add3A_448 {offsets = [0], sizes = [1], strides = [1]} : vector<16xf32> to vector<1xf32>
      %squeeze3A_509 = vector.extract %slice3A_508[0] : f32 from vector<1xf32>
      %slice3A_510 = vector.extract_strided_slice %add3A_507 {offsets = [0], sizes = [1], strides = [1]} : vector<16xf32> to vector<1xf32>
      %squeeze3A_511 = vector.extract %slice3A_510[0] : f32 from vector<1xf32>
      %mul3A_512 = arith.mulf %squeeze3A_509, %squeeze3A_511 : f32
      %bitcast_convert_type3A = arith.bitcast %mul3A_512 : f32 to i32
      %shift_right_arithmetic3A_513 = arith.constant 1 : i32
      %shift_right_arithmetic3A_514 = arith.shrsi %bitcast_convert_type3A, %shift_right_arithmetic3A_513 : i32
      %sub3A_515 = arith.constant 1597463007 : i32
      %sub3A_516 = arith.subi %sub3A_515, %shift_right_arithmetic3A_514 : i32
      %bitcast_convert_type3A_517 = arith.bitcast %sub3A_516 : i32 to f32
      %mul3A_518 = arith.constant 5.000000e-01 : f32
      %mul3A_519 = arith.mulf %mul3A_518, %mul3A_512 : f32
      %mul3A_520 = arith.mulf %mul3A_519, %bitcast_convert_type3A_517 : f32
      %mul3A_521 = arith.mulf %mul3A_520, %bitcast_convert_type3A_517 : f32
      %sub3A_522 = arith.constant 1.500000e+00 : f32
      %sub3A_523 = arith.subf %sub3A_522, %mul3A_521 : f32
      %mul3A_524 = arith.mulf %bitcast_convert_type3A_517, %sub3A_523 : f32
      %mul3A_525 = arith.constant 5.000000e-01 : f32
      %mul3A_526 = arith.mulf %mul3A_525, %mul3A_512 : f32
      %mul3A_527 = arith.mulf %mul3A_526, %mul3A_524 : f32
      %mul3A_528 = arith.mulf %mul3A_527, %mul3A_524 : f32
      %sub3A_529 = arith.constant 1.500000e+00 : f32
      %sub3A_530 = arith.subf %sub3A_529, %mul3A_528 : f32
      %mul3A_531 = arith.mulf %mul3A_524, %sub3A_530 : f32
      %mul3A_532 = arith.constant 5.000000e-01 : f32
      %mul3A_533 = arith.mulf %mul3A_532, %mul3A_512 : f32
      %mul3A_534 = arith.mulf %mul3A_533, %mul3A_531 : f32
      %mul3A_535 = arith.mulf %mul3A_534, %mul3A_531 : f32
      %sub3A_536 = arith.constant 1.500000e+00 : f32
      %sub3A_537 = arith.subf %sub3A_536, %mul3A_535 : f32
      %mul3A_538 = arith.mulf %mul3A_531, %sub3A_537 : f32
      %mul3A_539 = arith.constant 5.000000e-01 : f32
      %mul3A_540 = arith.mulf %mul3A_539, %mul3A_512 : f32
      %mul3A_541 = arith.mulf %mul3A_540, %mul3A_538 : f32
      %mul3A_542 = arith.mulf %mul3A_541, %mul3A_538 : f32
      %sub3A_543 = arith.constant 1.500000e+00 : f32
      %sub3A_544 = arith.subf %sub3A_543, %mul3A_542 : f32
      %mul3A_545 = arith.mulf %mul3A_538, %sub3A_544 : f32
      %slice3A_546 = vector.extract_strided_slice %add3A_389 {offsets = [0], sizes = [1], strides = [1]} : vector<16xf32> to vector<1xf32>
      %squeeze3A_547 = vector.extract %slice3A_546[0] : f32 from vector<1xf32>
      %mul3A_548 = arith.mulf %squeeze3A_547, %mul3A_545 : f32
      %mul3A_549 = arith.constant 6.250000e-02 : f32
      %mul3A_550 = arith.mulf %mul3A_548, %mul3A_549 : f32
      %broadcast_in_dim3A_551 = vector.broadcast %mul3A_550 : f32 to vector<16xf32>
      %swap3A_552 = arith.constant 0 : index
      %swap3A_553 = tpu.vector_load %arg11[%swap3A_552] {strides = array<i32>} : memref<16xf32, #tpu.memory_space<vmem>>, vector<16xf32>,
      %swap3A_554 = vector.shape_cast %swap3A_553 : vector<16xf32> to vector<16xf32>
      %swap3A_555 = vector.shape_cast %broadcast_in_dim3A_551 : vector<16xf32> to vector<16xf32>
      tpu.vector_store %arg11[%swap3A_552], %swap3A_555 {strides = array<i32>} : memref<16xf32, #tpu.memory_space<vmem>>, vector<16xf32>,
      %mul3A_556 = arith.constant 16 : i32
      %mul3A_557 = arith.muli %arg1, %mul3A_556 : i32
      "tpu.region"() ({
        %run_scoped3A = tpu.sem_alloc : memref<!tpu.dma_semaphore, #tpu.memory_space<semaphore_mem>>
        %dma_start3A_563 = tpu.memref_slice %arg13[%mul3A_557] : memref<256xf32, #tpu.memory_space<vmem_shared>> -> memref<16xf32, #tpu.memory_space<vmem_shared>>
        %dma_start3A_564 = tpu.memref_slice %arg13[%mul3A_557] : memref<256xf32, #tpu.memory_space<vmem_shared>> -> memref<16xf32, #tpu.memory_space<vmem_shared>>
        tpu.enqueue_dma source(%arg11 : memref<16xf32, #tpu.memory_space<vmem>>) target(%dma_start3A_564 : memref<16xf32, #tpu.memory_space<vmem_shared>>) target_semaphore(%run_scoped3A : memref<!tpu.dma_semaphore, #tpu.memory_space<semaphore_mem>>)
        %dma_wait3A_565 = tpu.memref_slice %arg13[%mul3A_557] : memref<256xf32, #tpu.memory_space<vmem_shared>> -> memref<16xf32, #tpu.memory_space<vmem_shared>>
        %dma_wait3A_566 = tpu.memref_slice %arg13[%mul3A_557] : memref<256xf32, #tpu.memory_space<vmem_shared>> -> memref<16xf32, #tpu.memory_space<vmem_shared>>
        tpu.wait_dma2 semaphore(%run_scoped3A : memref<!tpu.dma_semaphore, #tpu.memory_space<semaphore_mem>>) src(%arg11 : memref<16xf32, #tpu.memory_space<vmem>>) dst(%dma_wait3A_566 : memref<16xf32, #tpu.memory_space<vmem_shared>>)
        tpu.yield
      }) : () -> ()
      %barrier3A = arith.constant 0 : index
      tpu.barrier barrier_id(%barrier3A)
      %eq3A_558 = arith.constant 0 : i32
      %eq3A_559 = arith.cmpi eq, %arg1, %eq3A_558 : i32
      %convert_element_type3A_560 = arith.extui %eq3A_559 : i1 to i32
      %cond3A_561 = arith.constant 0 : i32
      %cond3A_562 = arith.cmpi ne, %convert_element_type3A_560, %cond3A_561 : i32
      scf.if %cond3A_562 {
        "tpu.region"() ({
          %run_scoped3A = tpu.sem_alloc : memref<!tpu.dma_semaphore, #tpu.memory_space<semaphore_mem>>
          tpu.enqueue_dma source(%arg13 : memref<256xf32, #tpu.memory_space<vmem_shared>>) target(%arg12 : memref<256xf32, #tpu.memory_space<vmem>>) target_semaphore(%run_scoped3A : memref<!tpu.dma_semaphore, #tpu.memory_space<semaphore_mem>>)
          tpu.wait_dma2 semaphore(%run_scoped3A : memref<!tpu.dma_semaphore, #tpu.memory_space<semaphore_mem>>) src(%arg13 : memref<256xf32, #tpu.memory_space<vmem_shared>>) dst(%arg12 : memref<256xf32, #tpu.memory_space<vmem>>)
          tpu.yield
        }) : () -> ()
        %get3A_563 = arith.constant 0 : index
        %get3A_564 = tpu.vector_load %arg12[%get3A_563] {strides = array<i32>} : memref<256xf32, #tpu.memory_space<vmem>>, vector<16xf32>,
        %get3A_565 = vector.shape_cast %get3A_564 : vector<16xf32> to vector<16xf32>
        %get3A_566 = arith.constant 16 : index
        %get3A_567 = tpu.vector_load %arg12[%get3A_566] {strides = array<i32>} : memref<256xf32, #tpu.memory_space<vmem>>, vector<16xf32>,
        %get3A_568 = vector.shape_cast %get3A_567 : vector<16xf32> to vector<16xf32>
        %add3A_569 = arith.addf %get3A_565, %get3A_568 : vector<16xf32>
        %get3A_570 = arith.constant 32 : index
        %get3A_571 = tpu.vector_load %arg12[%get3A_570] {strides = array<i32>} : memref<256xf32, #tpu.memory_space<vmem>>, vector<16xf32>,
        %get3A_572 = vector.shape_cast %get3A_571 : vector<16xf32> to vector<16xf32>
        %add3A_573 = arith.addf %add3A_569, %get3A_572 : vector<16xf32>
        %get3A_574 = arith.constant 48 : index
        %get3A_575 = tpu.vector_load %arg12[%get3A_574] {strides = array<i32>} : memref<256xf32, #tpu.memory_space<vmem>>, vector<16xf32>,
        %get3A_576 = vector.shape_cast %get3A_575 : vector<16xf32> to vector<16xf32>
        %add3A_577 = arith.addf %add3A_573, %get3A_576 : vector<16xf32>
        %get3A_578 = arith.constant 64 : index
        %get3A_579 = tpu.vector_load %arg12[%get3A_578] {strides = array<i32>} : memref<256xf32, #tpu.memory_space<vmem>>, vector<16xf32>,
        %get3A_580 = vector.shape_cast %get3A_579 : vector<16xf32> to vector<16xf32>
        %add3A_581 = arith.addf %add3A_577, %get3A_580 : vector<16xf32>
        %get3A_582 = arith.constant 80 : index
        %get3A_583 = tpu.vector_load %arg12[%get3A_582] {strides = array<i32>} : memref<256xf32, #tpu.memory_space<vmem>>, vector<16xf32>,
        %get3A_584 = vector.shape_cast %get3A_583 : vector<16xf32> to vector<16xf32>
        %add3A_585 = arith.addf %add3A_581, %get3A_584 : vector<16xf32>
        %get3A_586 = arith.constant 96 : index
        %get3A_587 = tpu.vector_load %arg12[%get3A_586] {strides = array<i32>} : memref<256xf32, #tpu.memory_space<vmem>>, vector<16xf32>,
        %get3A_588 = vector.shape_cast %get3A_587 : vector<16xf32> to vector<16xf32>
        %add3A_589 = arith.addf %add3A_585, %get3A_588 : vector<16xf32>
        %get3A_590 = arith.constant 112 : index
        %get3A_591 = tpu.vector_load %arg12[%get3A_590] {strides = array<i32>} : memref<256xf32, #tpu.memory_space<vmem>>, vector<16xf32>,
        %get3A_592 = vector.shape_cast %get3A_591 : vector<16xf32> to vector<16xf32>
        %add3A_593 = arith.addf %add3A_589, %get3A_592 : vector<16xf32>
        %get3A_594 = arith.constant 128 : index
        %get3A_595 = tpu.vector_load %arg12[%get3A_594] {strides = array<i32>} : memref<256xf32, #tpu.memory_space<vmem>>, vector<16xf32>,
        %get3A_596 = vector.shape_cast %get3A_595 : vector<16xf32> to vector<16xf32>
        %add3A_597 = arith.addf %add3A_593, %get3A_596 : vector<16xf32>
        %get3A_598 = arith.constant 144 : index
        %get3A_599 = tpu.vector_load %arg12[%get3A_598] {strides = array<i32>} : memref<256xf32, #tpu.memory_space<vmem>>, vector<16xf32>,
        %get3A_600 = vector.shape_cast %get3A_599 : vector<16xf32> to vector<16xf32>
        %add3A_601 = arith.addf %add3A_597, %get3A_600 : vector<16xf32>
        %get3A_602 = arith.constant 160 : index
        %get3A_603 = tpu.vector_load %arg12[%get3A_602] {strides = array<i32>} : memref<256xf32, #tpu.memory_space<vmem>>, vector<16xf32>,
        %get3A_604 = vector.shape_cast %get3A_603 : vector<16xf32> to vector<16xf32>
        %add3A_605 = arith.addf %add3A_601, %get3A_604 : vector<16xf32>
        %get3A_606 = arith.constant 176 : index
        %get3A_607 = tpu.vector_load %arg12[%get3A_606] {strides = array<i32>} : memref<256xf32, #tpu.memory_space<vmem>>, vector<16xf32>,
        %get3A_608 = vector.shape_cast %get3A_607 : vector<16xf32> to vector<16xf32>
        %add3A_609 = arith.addf %add3A_605, %get3A_608 : vector<16xf32>
        %get3A_610 = arith.constant 192 : index
        %get3A_611 = tpu.vector_load %arg12[%get3A_610] {strides = array<i32>} : memref<256xf32, #tpu.memory_space<vmem>>, vector<16xf32>,
        %get3A_612 = vector.shape_cast %get3A_611 : vector<16xf32> to vector<16xf32>
        %add3A_613 = arith.addf %add3A_609, %get3A_612 : vector<16xf32>
        %get3A_614 = arith.constant 208 : index
        %get3A_615 = tpu.vector_load %arg12[%get3A_614] {strides = array<i32>} : memref<256xf32, #tpu.memory_space<vmem>>, vector<16xf32>,
        %get3A_616 = vector.shape_cast %get3A_615 : vector<16xf32> to vector<16xf32>
        %add3A_617 = arith.addf %add3A_613, %get3A_616 : vector<16xf32>
        %get3A_618 = arith.constant 224 : index
        %get3A_619 = tpu.vector_load %arg12[%get3A_618] {strides = array<i32>} : memref<256xf32, #tpu.memory_space<vmem>>, vector<16xf32>,
        %get3A_620 = vector.shape_cast %get3A_619 : vector<16xf32> to vector<16xf32>
        %add3A_621 = arith.addf %add3A_617, %get3A_620 : vector<16xf32>
        %get3A_622 = arith.constant 240 : index
        %get3A_623 = tpu.vector_load %arg12[%get3A_622] {strides = array<i32>} : memref<256xf32, #tpu.memory_space<vmem>>, vector<16xf32>,
        %get3A_624 = vector.shape_cast %get3A_623 : vector<16xf32> to vector<16xf32>
        %add3A_625 = arith.addf %add3A_621, %get3A_624 : vector<16xf32>
        %swap3A_626 = arith.constant 0 : index
        %swap3A_627 = tpu.vector_load %arg11[%swap3A_626] {strides = array<i32>} : memref<16xf32, #tpu.memory_space<vmem>>, vector<16xf32>,
        %swap3A_628 = vector.shape_cast %swap3A_627 : vector<16xf32> to vector<16xf32>
        %swap3A_629 = vector.shape_cast %add3A_625 : vector<16xf32> to vector<16xf32>
        tpu.vector_store %arg11[%swap3A_626], %swap3A_629 {strides = array<i32>} : memref<16xf32, #tpu.memory_space<vmem>>, vector<16xf32>,
        "tpu.region"() ({
          %run_scoped3A = tpu.sem_alloc : memref<!tpu.dma_semaphore, #tpu.memory_space<semaphore_mem>>
          tpu.enqueue_dma source(%arg11 : memref<16xf32, #tpu.memory_space<vmem>>) target(%arg6 : memref<16xf32, #tpu.memory_space<hbm>>) target_semaphore(%run_scoped3A : memref<!tpu.dma_semaphore, #tpu.memory_space<semaphore_mem>>)
          tpu.wait_dma2 semaphore(%run_scoped3A : memref<!tpu.dma_semaphore, #tpu.memory_space<semaphore_mem>>) src(%arg11 : memref<16xf32, #tpu.memory_space<vmem>>) dst(%arg6 : memref<16xf32, #tpu.memory_space<hbm>>)
          tpu.yield
        }) : () -> ()
      } else {
      }
    } else {
    }
    return
  }
}

</mosaic_0001>

<sc_bundles>
// kernel: _sc_call.3.cloned.1.call-start
scs
__scs_entry_jumppad:
0x0: {  	(pc) =	sbr.rel $0x88, $3  }
0x1: {  	(tag) =	ssettag $0x0;
	lr =	simm.s32 $0x1  }
0x2: {  	[smem:$0x3F9D] =	sst lr;
	_ =	strace $0xD0000000  }
0x3: {  	_ = 	snop  }
0x4: {  	_ = 	snop  }
0x5: {  	_ = 	snop  }
0x6: {  	_ = 	snop  }
0x7: {  	_ = 	snop  }
__scs_overlays_trampoline_lowered:
0x8: {  	[smem:$0x3FAC] =	sst s0  }
0x9: {  	[smem:$0x3FAD] =	sst s1  }
0xa: {  	[smem:$0x3FAE] =	sst s2  }
0xb: {  	[smem:$0x3FAF] =	sst s3  }
0xc: {  	[smem:$0x3FB0] =	sst s4  }
0xd: {  	[smem:$0x3FB1] =	sst s5  }
0xe: {  	[smem:$0x3FB2] =	sst s6  }
0xf: {  	[smem:$0x3FB3] =	sst s7  }
0x10: {  	[smem:$0x3FB4] =	sst s8  }
0x11: {  	[smem:$0x3FB5] =	sst s9;
	s0 =	simm.s32 @!p0 $0x0  }
0x12: {  	s1 =	sld [smem:$0x3F9B];
	s0 =	simm.s32 @p0 $0x1  }
0x13: {  	[smem:$0x3FB6] =	sst s0;
	s0 =	simm.s32 @!p1 $0x0  }
0x14: {  	s2 =	sld [smem:$0x3F9A];
	s0 =	simm.s32 @p1 $0x1  }
0x15: {  	[smem:$0x3FB7] =	sst s0;
	s0 =	simm.s32 @!p2 $0x0  }
0x16: {  	s3 =	sld [smem:$0x3FDB];
	s0 =	simm.s32 @p2 $0x1  }
0x17: {  	s4 =	simm.s32 $0x1BF5;
	[smem:$0x3FB9] =	sst s0  }
0x18: {  	s0 =	sld [smem:$0x3F9C];
	_ =	swait.ge [sflag:s4], $0x0  }
0x19: {  	s7 =	sld [smem:$0x3F9D]  }
0x1a: {  	s8 =	sadd.s32 $0xFFFFE003, lr  }
0x1b: {  	s9 =	sadd.s32 $0xFFFFFEF7, lr;
	s5 =	simm.s32 $0xFFFFFFFF;
	p2 =	slt.u32 s8, $0xFFFFF086  }
0x1c: {  	p1 =	slt.u32 s9, $0xF7A;
	s5 =	simm.s32 @!p2 $0x0  }
0x1d: {  	s5 =	simm.s32 @p1 $0x1;
	p0 =	seq.s32 s7, s2  }
0x1e: {  	s7 =	smul.u32 @!p0 $0xF7A, s2;
	p2 =	seq.s32 @!p0 s5, $0x0  }
0x1f: {  	s9 =	smul.u32 $0xF7A, s1;
	s8 =	simm.s32 @!p0 $0x1BF5;
	p2 =	por !p2, p0  }
0x20: {  	[sflag:s8] =	ssyncset.s32 @!p0 $0xFFFFF086;
	s6 =	sadd.s32 @!p0 s3, s7;
	s7 =	simm.s32 @!p0 $0x108  }
0x21: {  	s3 =	sadd.s32 s3, s9;
	s6 =	sadd.s32 @!p0 $0x88, s6;
	s7 =	simm.s32 @p2 $0x1082  }
0x22: {  	[simem:s7], [sflag:s8] =	dma.local @!p0 [hbm:s6], $0xF7A  }
0x23: {  	s9 =	sor.u32 $0xD0000000, s2;
	s6 =	simm.s32 $0x108;
	_ =	swait.ge @!p0 [sflag:s8], $0x0  }
0x24: {  	s3 =	sadd.s32 $0x88, s3;
	s6 =	simm.s32 @!p1 $0x1082;
	[sflag:s4] =	ssyncset.s32 $0xFFFFF086  }
0x25: {  	[simem:s6], [sflag:s4] =	dma.local [hbm:s3], $0xF7A  }
0x26: {  	[smem:$0x3F9D] =	sst s1;
	(tag) =	ssettag s2;
	_ =	strace s9  }
0x27: {  	s1 =	sld [smem:$0x3FAD]  }
0x28: {  	s2 =	sld [smem:$0x3FAE]  }
0x29: {  	s4 =	sld [smem:$0x3FB0]  }
0x2a: {  	p0 =	seq.s32 s5, $0x0;
	s5 =	sld [smem:$0x3FB1]  }
0x2b: {  	s6 =	sld [smem:$0x3FB2]  }
0x2c: {  	s7 =	sld [smem:$0x3FB3]  }
0x2d: {  	s3 =	simm.s32 $0x108;
	s8 =	sld [smem:$0x3FB4]  }
0x2e: {  	s3 =	simm.s32 @!p0 $0x1082;
	s9 =	sld [smem:$0x3FB5]  }
0x2f: {  	lr =	sadd.s32 s0, s3;
	s0 =	sld [smem:$0x3FAC]  }
0x30: {  	s3 =	sld [smem:$0x3FAF]  }
0x31: {  	[smem:$0x3FB8] =	sst s10  }
0x32: {  	s10 =	sld [smem:$0x3FB6];
	_ =	sdelay $0x3  }
0x33: {  	p0 =	seq.s32 s10, $0x1;
	s10 =	sld [smem:$0x3FB8];
	_ =	sdelay $0x3  }
0x34: {  	[smem:$0x3FB8] =	sst s10  }
0x35: {  	s10 =	sld [smem:$0x3FB7];
	_ =	sdelay $0x3  }
0x36: {  	p1 =	seq.s32 s10, $0x1;
	s10 =	sld [smem:$0x3FB8];
	_ =	sdelay $0x3  }
0x37: {  	[smem:$0x3FB8] =	sst s10  }
0x38: {  	s10 =	sld [smem:$0x3FB9]  }
0x39: {  	_ = 	snop;
	(pc) =	sbr.ind lr, $3  }
0x3a: {  	_ = 	snop  }
0x3b: {  	_ = 	snop  }
0x3c: {  	p2 =	seq.s32 s10, $0x1;
	s10 =	sld [smem:$0x3FB8]  }
0x3d: {  	_ =	shalt  }
0x3e: {  	_ =	shalt  }
0x3f: {  	_ =	shalt  }
0x40: {  	_ =	shalt  }
0x41: {  	_ =	shalt  }
0x42: {  	_ =	shalt  }
0x43: {  	_ =	shalt  }
0x44: {  	_ =	shalt  }
0x45: {  	_ =	shalt  }
0x46: {  	_ =	shalt  }
0x47: {  	_ =	shalt  }
0x48: {  	_ =	shalt  }
0x49: {  	_ =	shalt  }
0x4a: {  	_ =	shalt  }
0x4b: {  	_ =	shalt  }
0x4c: {  	_ =	shalt  }
0x4d: {  	_ =	shalt  }
0x4e: {  	_ =	shalt  }
0x4f: {  	_ =	shalt  }
0x50: {  	_ =	shalt  }
0x51: {  	_ =	shalt  }
0x52: {  	_ =	shalt  }
0x53: {  	_ =	shalt  }
0x54: {  	_ =	shalt  }
0x55: {  	_ =	shalt  }
0x56: {  	_ =	shalt  }
0x57: {  	_ =	shalt  }
0x58: {  	_ =	shalt  }
0x59: {  	_ =	shalt  }
0x5a: {  	_ =	shalt  }
0x5b: {  	_ =	shalt  }
0x5c: {  	_ =	shalt  }
0x5d: {  	_ =	shalt  }
0x5e: {  	_ =	shalt  }
0x5f: {  	_ =	shalt  }
0x60: {  	_ =	shalt  }
0x61: {  	_ =	shalt  }
0x62: {  	_ =	shalt  }
0x63: {  	_ =	shalt  }
0x64: {  	_ =	shalt  }
0x65: {  	_ =	shalt  }
0x66: {  	_ =	shalt  }
0x67: {  	_ =	shalt  }
0x68: {  	_ =	shalt  }
0x69: {  	_ =	shalt  }
0x6a: {  	_ =	shalt  }
0x6b: {  	_ =	shalt  }
0x6c: {  	_ =	shalt  }
0x6d: {  	_ =	shalt  }
0x6e: {  	_ =	shalt  }
0x6f: {  	_ =	shalt  }
0x70: {  	_ =	shalt  }
0x71: {  	_ =	shalt  }
0x72: {  	_ =	shalt  }
0x73: {  	_ =	shalt  }
0x74: {  	_ =	shalt  }
0x75: {  	_ =	shalt  }
0x76: {  	_ =	shalt  }
0x77: {  	_ =	shalt  }
0x78: {  	_ =	shalt  }
0x79: {  	_ =	shalt  }
0x7a: {  	_ =	shalt  }
0x7b: {  	_ =	shalt  }
0x7c: {  	_ =	shalt  }
0x7d: {  	_ =	shalt  }
0x7e: {  	_ =	shalt  }
0x7f: {  	_ =	shalt  }
0x80: {  	_ =	shalt  }
0x81: {  	_ =	shalt  }
0x82: {  	_ =	shalt  }
0x83: {  	_ =	shalt  }
0x84: {  	_ =	shalt  }
0x85: {  	_ =	shalt  }
0x86: {  	_ =	shalt  }
0x87: {  	_ =	shalt  }
.Lfunc_end0:
.L_simem_size_0:
called_computation_lowered:
.L_overlay_start_0:
0x88: {  	s0 =	sld [smem:$0x3FD9]  }
0x89: {  	s1 =	sld [smem:$0x3FFE];
	_ =	sdelay $0x3  }
0x8a: {  	s0 =	sadd.s32 s1, s0  }
0x8b: {  	[smem:$0x3FC4] =	sst s0  }
0x8c: {  	_ = 	snop  }
0x8d: {  	s0 =	sld [smem:$0x3FC9]  }
0x8e: {  	s17 =	sld [smem:$0x3FC8]  }
0x8f: {  	s2 =	sld [smem:$0x3FC7]  }
0x90: {  	s3 =	sld [smem:$0x3FC6]  }
0x91: {  	s4 =	sld [smem:$0x3FD0];
	(tm) =	ssettm $0x1  }
0x92: {  	s5 =	sld [smem:$0x3FFB];
	_ =	sdelay $0x3  }
0x93: {  	_ =	strace s5  }
0x94: {  	s5 =	sld [smem:$0x3FFC];
	_ =	sdelay $0x3  }
0x95: {  	_ =	strace s5  }
0x96: {  	s5 =	sld [smem:$0x3FFD];
	_ =	sdelay $0x3  }
0x97: {  	_ =	strace s5  }
0x98: {  	_ =	strace $0x8FFFFFFF  }
0x99: {  	s18 =	sld [smem:$0x3FDB];
	_ =	sdelay $0x1  }
0x9a: {  	s6 =	simm.s32 $_scs_section_size  }
0x9b: {  	s7 =	simm.s32 $_size__tile_overlayer_lowered;
	s8 =	simm.s32 $_tile_overlayer_lowered  }
0x9c: {  	s21 =	simm.s32 $0x1BFF;
	s20 =	sshll.u32 s8, $0x1;
	s5 =	sadd.s32 s6, s18  }
0x9d: {  	s9 =	simm.s32 $0x0;
	s19 =	sshll.u32 s7, $0x1;
	s7 =	sadd.s32 s20, s5  }
0x9e: {  	[timem:s9], [sflag:s21] =	dma.local [hbm:s7], s19  }
0x9f: {  	_ =	swait.ge [sflag:s21], s19  }
0xa0: {  	s6 =	ssub.s32 $0x0, s19;
	[sflag:s21] =	ssyncset.done $0x0  }
0xa1: {  	[sflag:s21] =	ssyncadd.s32 s6;
	_ =	sdelay $0x1  }
0xa2: {  	s22 =	simm.s32 $0x1B8B  }
0xa3: {  	_ =	swait.ge [sflag:s22], $0x1  }
0xa4: {  	[sflag:s22] =	ssyncset.done $0x0  }
0xa5: {  	s23 =	simm.s32 $0x1B8E;
	[sflag:s22] =	ssyncadd.s32 $0xFFFFFFFF  }
0xa6: {  	s24 =	simm.s32 $execute0_lowered;
	[smem:$0x3FD2] =	sst s23  }
0xa7: {  	s6 =	sshll.u32 s24, $0x1;
	_ =	strace $0x80000046;
	[dreg:$0x1] =	wrdreg $0xFFFFFFFF  }
0xa8: {  	s25 =	simm.s32 $_size_execute0_lowered;
	s5 =	sadd.s32 s5, s6;
	[dreg:$0x0] =	wrdreg $0x0  }
0xa9: {  	s6 =	sshll.u32 s25, $0x1;
	[dreg:$0x2] =	wrdreg s5  }
0xaa: {  	[dreg:$0x3] =	wrdreg s6  }
0xab: {  	[dreg:$0x4] =	wrdreg $0xC0  }
0xac: {  	_ =	task [dreg:s9], $0x5FFFF  }
0xad: {  	[dreg:$0x1] =	wrdreg $0xFFFFFFFF  }
0xae: {  	[dreg:$0x0] =	wrdreg $0x60  }
0xaf: {  	[dreg:$0x2] =	wrdreg s0  }
0xb0: {  	[dreg:$0x3] =	wrdreg s17  }
0xb1: {  	[dreg:$0x4] =	wrdreg s2  }
0xb2: {  	[dreg:$0x5] =	wrdreg s3  }
0xb3: {  	[dreg:$0x6] =	wrdreg s4  }
0xb4: {  	[dreg:$0x7] =	wrdreg $0x33800  }
0xb5: {  	[dreg:$0x8] =	wrdreg $0x9  }
0xb6: {  	_ =	task.clear_ibuf [dreg:s9], $0x9FFFF;
	_ =	strace $0x90000046  }
0xb7: {  	s26 =	simm.s32 $0x9;
	_ =	strace $0x80000048  }
0xb8: {  	_ =	swait.ge [sflag:s26], $0x1  }
0xb9: {  	[sflag:s26] =	ssyncadd.s32 $0xFFFFFFFF  }
0xba: {  	_ =	strace $0x90000048  }
0xbb: {  	_ =	sfence  }
0xbc: {  	s28 =	sld [smem:$0x0];
	_ =	sdelay $0x1  }
0xbd: {  	s29 =	srdreg.scid  }
0xbe: {  	s30 =	sshll.u32 s29, $0xD;
	s31 =	sshrl.u32 s29, $0x2  }
0xbf: {  	s1 =	sand.u32 $0x1, s29;
	s2 =	sand.u32 $0x4000, s30;
	s0 =	sadd.s32 s31, s28  }
0xc0: {  	s1 =	sor.u32 s2, s1;
	s0 =	sshll.u32 s0, $0x11  }
0xc1: {  	s0 =	sor.u32 s0, s1  }
0xc2: {  	s0 =	sadd.s32 $0x8F2B, s0  }
0xc3: {  	[sflag:s0] =	ssyncadd.remote.s32 $0x1  }
0xc4: {  	_ =	sfence.sel $0xFFFF  }
0xc5: {  	[dreg:$0x0] =	wrdreg $0xFFFFFFFF;
	(pc) =	sbr.abs _section_cstart, $3  }
0xc6: {  	[dreg:$0x1] =	wrdreg $0xFFFFFFFF  }
0xc7: {  	_ =	task.clear_ibuf [dreg:s9], $0x2FFFF;
	_ =	strace $0x9FFFFFFF  }
0xc8: {  	(tm) =	ssettm $0x7FFFFFFF  }
0xc9: {  	_ =	shalt  }
tec
execute0_lowered:
.L_overlay_start_1:
0x0: {  	(tag) =	ssettag $0x1  }
0x1: {  	s6 =	rddreg [dreg:$0x0]  }
0x2: {  	s4 =	rddreg [dreg:$0x1]  }
0x3: {  	s3 =	rddreg [dreg:$0x2]  }
0x4: {  	s5 =	rddreg [dreg:$0x3]  }
0x5: {  	s1 =	rddreg [dreg:$0x4]  }
0x6: {  	s2 =	rddreg [dreg:$0x5];
	s7 =	simm.s32 $0x0  }
0x7: {  	[smem:$0x7FF] =	sst s7  }
0x8: {  	s0 =	rddreg [dreg:$0x6];
	_ =	strace $0x80000047  }
0x9: {  	[tilespmem:s7], [sflag:$0x1] =	stream.linear.gather [hbm4b:s3+s7], $0x80, $0x38;
	[tilespmem:$0x3390] =	vst v63  }
0xa: {  	s29 =	simm.s32 $0x80  }
0xb: {  	[tilespmem:s29], [sflag:$0x2] =	stream.linear.gather [hbm4b:s5+s7], $0x80, $0x38;
	[tilespmem:$0x3390] =	vst v63  }
0xc: {  	s5 =	simm.s32 $0x1  }
0xd: {  	_ =	swait.ge [sflag:s5], $0x80  }
0xe: {  	[sflag:s5] =	ssyncset.done $0x0  }
0xf: {  	s30 =	simm.s32 $0x2;
	[sflag:s5] =	ssyncadd.s32 $0xFFFFFF80  }
0x10: {  	v0 =	vimm.s32 $0x76543218;
	_ =	swait.ge [sflag:s30], $0x80  }
0x11: {  	v1 =	vimm.s32 $0xFEDCBA90;
	v0 =	vunpack.c.l.s4.s8 v0;
	[sflag:s30] =	ssyncset.done $0x0  }
0x12: {  	v1 =	vunpack.c.l.s4.s8 v1;
	[sflag:s30] =	ssyncadd.s32 $0xFFFFFF80  }
0x13: {  	v0 =	vunpack.c.0.s8.s32 v0;
	v2 =	vld [tilespmem:$0x0]  }
0x14: {  	v1 =	vunpack.c.0.s8.s32 v1  }
0x15: {  	vm0 =	vcmask $0x2304;
	s3 =	stileid.u32;
	v0 =	vand.u32 $0xF, v0  }
0x16: {  	vm14 =	vcmask $0x3F24;
	v1 =	vand.u32 $0xF, v1;
	v0 =	vnsel vm0, s3, v0  }
0x17: {  	v0 =	vsel vm14, v1, v0  }
0x18: {  	v1 =	vperm.xlane v2, v0;
	_ =	sdelay $0x1  }
0x19: {  	(v2sf) =	vpush v1, $0x0;
	_ =	sdelay $0xe  }
0x1a: {  	s8 =	spop (v2sf)  }
0x1b: {  	s8 =	smul.u32 $0x3, s8;
	_ =	sdelay $0x1  }
0x1c: {  	s9 =	sand.u32 $0xFFFFFFF0, s8  }
0x1d: {  	s10 =	sshrl.u32 s9, $0x3  }
0x1e: {  	s12 =	simm.s32 $0x100;
	s11 =	sadd.s32 s6, s10  }
0x1f: {  	[tilespmem:s12], [sflag:$0x3] =	stream.linear.gather [hbm4b:s11+s7], $0x600, $0x38;
	[tilespmem:$0x3390] =	vst v63  }
0x20: {  	s31 =	simm.s32 $0x1980;
	s10 =	sadd.s32 s4, s10;
	s12 =	sadd.s32 $0x600, s9  }
0x21: {  	[tilespmem:s31], [sflag:$0x7] =	stream.linear.gather [hbm4b:s10+s7], $0x600, $0x38;
	[tilespmem:$0x3390] =	vst v63  }
0x22: {  	s10 =	sshrl.u32 s12, $0x3  }
0x23: {  	s14 =	simm.s32 $0x700;
	s13 =	sadd.s32 s6, s10  }
0x24: {  	[tilespmem:s14], [sflag:$0x4] =	stream.linear.gather [hbm4b:s13+s7], $0x600, $0x38;
	[tilespmem:$0x3390] =	vst v63  }
0x25: {  	s15 =	simm.s32 $0x1F80;
	s16 =	sadd.s32 $0xC00, s9;
	s10 =	sadd.s32 s4, s10  }
0x26: {  	[tilespmem:s15], [sflag:$0x8] =	stream.linear.gather [hbm4b:s10+s7], $0x600, $0x38;
	[tilespmem:$0x3390] =	vst v63  }
0x27: {  	s10 =	sshrl.u32 s16, $0x3  }
0x28: {  	s18 =	simm.s32 $0xD00;
	s9 =	sadd.s32 $0x1200, s9;
	s17 =	sadd.s32 s6, s10  }
0x29: {  	[tilespmem:s18], [sflag:$0x5] =	stream.linear.gather [hbm4b:s17+s7], $0x600, $0x38;
	[tilespmem:$0x3390] =	vst v63  }
0x2a: {  	s19 =	simm.s32 $0x2580;
	s9 =	sshrl.u32 s9, $0x3;
	s10 =	sadd.s32 s4, s10  }
0x2b: {  	[tilespmem:s19], [sflag:$0x9] =	stream.linear.gather [hbm4b:s10+s7], $0x600, $0x38;
	[tilespmem:$0x3390] =	vst v63  }
0x2c: {  	s20 =	simm.s32 $0x1300;
	s6 =	sadd.s32 s6, s9  }
0x2d: {  	[tilespmem:s20], [sflag:$0x6] =	stream.linear.gather [hbm4b:s6+s7], $0x610, $0x38;
	[tilespmem:$0x3390] =	vst v63  }
0x2e: {  	s21 =	simm.s32 $0x2B80;
	s4 =	sadd.s32 s4, s9  }
0x2f: {  	[tilespmem:s21], [sflag:$0xA] =	stream.linear.gather [hbm4b:s4+s7], $0x610, $0x38;
	[tilespmem:$0x3390] =	vst v63  }
0x30: {  	v1 =	vld [tilespmem:$0x80];
	_ =	sdelay $0x4  }
0x31: {  	v0 =	vperm.xlane v1, v0;
	_ =	sdelay $0x1  }
0x32: {  	(v2sf) =	vpush v0, $0x0;
	_ =	sdelay $0xe  }
0x33: {  	s22 =	spop (v2sf)  }
0x34: {  	s4 =	smul.u32 $0x3, s22  }
0x35: {  	s23 =	simm.s32 $0x3;
	s24 =	sand.u32 $0xF, s8  }
0x36: {  	_ =	swait.ge [sflag:s23], $0x600;
	s4 =	sadd.s32 s24, s4  }
0x37: {  	[sflag:s23] =	ssyncset.done $0x0;
	s26 =	sadd.s32 $0x3F, s4  }
0x38: {  	s25 =	simm.s32 $0x7;
	[sflag:s23] =	ssyncadd.s32 $0xFFFFFA00;
	s29 =	sand.u32 $0x3F, s26  }
0x39: {  	s28 =	sshra.s32 s26, $0x1F;
	p0 =	slt.s32 s26, $0x1;
	p1 =	sne.s32 s29, $0x0  }
0x3a: {  	_ =	swait.ge [sflag:s25], $0x600;
	s30 =	sshrl.u32 s28, $0x1A;
	p0 =	por !p0, !p1  }
0x3b: {  	[sflag:s25] =	ssyncset.done $0x0;
	s6 =	sadd.s32 s30, s26;
	p0 =	por !p0, !p0  }
0x3c: {  	[sflag:s25] =	ssyncadd.s32 $0xFFFFFA00;
	s6 =	sshra.s32 s6, $0x6;
	s5 =	simm.s32 @!p0 $0x0  }
0x3d: {  	v1 =	vld [tilespmem:$0x100];
	s5 =	ssub.s32 s6, s5  }
0x3e: {  	v2 =	vld [tilespmem:$0x1980];
	p0 =	sgt.s32 s5, $0x1;
	s6 =	smov.u32 s5;
	s31 =	sadd.s32 $0xFFFFFFFF, s5  }
0x3f: {  	s6 =	simm.s32 @!p0 $0x1;
	p0 =	sgt.u32 s31, $0x17  }
.Ltmp0:
0x40: {  	v3 =	vmov s24;
	v0 =	vlaneseq.u32;
	(pc) =	sbr.rel @p0 .LBB2_4-.Ltmp0, $4  }
0x41: {  	vm15 =	vgt.u32 v3, v0  }
0x42: {  	v1 =	vsel vm15, $0x0, v1  }
0x43: {  	[tilespmem:$0x100] =	vst v1;
	s6 =	sshll.u32 s6, $0x6;
	v1 =	vsel vm15, $0x0, v2  }
0x44: {  	s7 =	sadd.s32 $0xFFFFFFC0, s6;
	[tilespmem:$0x1980] =	vst v1  }
0x45: {  	v1 =	vld [tilespmem:s7+$0x100]  }
0x46: {  	v2 =	vld [tilespmem:s7+$0x1980];
	_ =	sdelay $0x1  }
0x47: {  	v3 =	vor.u32 s7, v0  }
0x48: {  	vm0 =	vlt.s32 v3, s4  }
0x49: {  	v1 =	vnsel vm0, $0x0, v1  }
0x4a: {  	v55 =	vnsel vm0, $0x0, v2;
	[tilespmem:s7+$0x100] =	vst v1  }
0x4b: {  	[tilespmem:s7+$0x1980] =	vst v55  }
0x4c: {  	v1 =	vld [tilespmem:s6+$0xD0]  }
0x4d: {  	v56 =	vld [tilespmem:s6+$0x1950]  }
0x4e: {  	s8 =	sadd.s32 $0xFFFFFFD0, s6;
	v57 =	vld [tilespmem:s6+$0xE0]  }
0x4f: {  	v4 =	vor.u32 s8, v0;
	v5 =	vld [tilespmem:s6+$0x1960]  }
0x50: {  	s30 =	sadd.s32 $0xFFFFFFE0, s6;
	vm13 =	vlt.s32 v4, s4;
	v58 =	vld [tilespmem:s6+$0xF0]  }
0x51: {  	v6 =	vor.u32 s30, v0;
	v7 =	vld [tilespmem:s6+$0x1970];
	v1 =	vnsel vm13, $0x0, v1  }
0x52: {  	s31 =	sadd.s32 $0xFFFFFFF0, s6;
	vm14 =	vlt.s32 v6, s4;
	v59 =	vnsel vm13, $0x0, v56;
	[tilespmem:s6+$0xD0] =	vst v1  }
.Ltmp1:
0x53: {  	v61 =	vor.u32 s31, v0;
	v60 =	vnsel vm14, $0x0, v57;
	[tilespmem:s6+$0x1950] =	vst v59;
	(pc) =	sbr.rel .LBB2_2-.Ltmp1, $4  }
0x54: {  	vm15 =	vlt.s32 v61, s4;
	v62 =	vnsel vm14, $0x0, v5;
	[tilespmem:s6+$0xE0] =	vst v60  }
0x55: {  	v0 =	vnsel vm15, $0x0, v58;
	[tilespmem:s6+$0x1960] =	vst v62  }
0x56: {  	v63 =	vnsel vm15, $0x0, v7;
	[tilespmem:s6+$0xF0] =	vst v0  }
0x57: {  	[tilespmem:s6+$0x1970] =	vst v63  }
.LBB2_4:
0x58: {  	p0 =	slt.s32 s5, $0x1  }
.Ltmp2:
0x59: {  	_ = 	snop;
	(pc) =	sbr.rel @p0 .LBB2_5-.Ltmp2, $1  }
0x5a: {  	_ =	sdelay $0x3  }
.LBB2_2:
0x5b: {  	s10 =	smin.u32 s5, $0x18  }
0x5c: {  	s9 =	simm.s32 $0x120;
	p1 =	sne.s32 s10, $0x1  }
.Ltmp3:
0x5d: {  	v18 =	vld [tilespmem:s9+$0xFFFFFFE0];
	(pc) =	sbr.rel @!p1 .LBB2_3-.Ltmp3, $4  }
0x5e: {  	v17 =	vld [tilespmem:s9+$0xFFFFFFF0]  }
0x5f: {  	v14 =	vld [tilespmem:s9+$0x0]  }
0x60: {  	s8 =	simm.s32 $0x19A0;
	v0 =	vld [tilespmem:s9+$0x10]  }
0x61: {  	v2 =	vimm.f32 $0.0e+00;
	p0 =	por $0x0, $0x0;
	v8 =	vld [tilespmem:s8+$0x10];
	s10 =	sadd.s32 $0xFFFFFFFF, s10  }
0x62: {  	v5 =	vld [tilespmem:s8+$0xFFFFFFE0]  }
0x63: {  	v7 =	vld [tilespmem:s8+$0xFFFFFFF0]  }
0x64: {  	v1 =	vmul.f32 v18, v18;
	v12 =	vld [tilespmem:s8+$0x0];
	v13 =	vimm.f32 $0.0e+00;
	v4 =	vmul.f32 v14, v14  }
0x65: {  	v15 =	vimm.f32 $0.0e+00;
	v16 =	vimm.f32 $0.0e+00;
	v3 =	vmul.f32 v17, v17  }
0x66: {  	s9 =	simm.s32 $0x160;
	p1 =	sne.s32 s10, $0x1;
	v9 =	vmul.f32 v0, v0;
	v6 =	vadd.f32 v4, v2;
	v4 =	vmul.f32 v8, v0  }
.Ltmp4:
0x67: {  	v22 =	vld [tilespmem:s9+$0xFFFFFFE0];
	v1 =	vadd.f32 v1, v2;
	v0 =	vmul.f32 v8, v8;
	v8 =	vmul.f32 v5, v18;
	(pc) =	sbr.rel @!p1 .LBB2_7-.Ltmp4, $4  }
0x68: {  	v25 =	vld [tilespmem:s9+$0xFFFFFFF0];
	v3 =	vadd.f32 v3, v2;
	v19 =	vmul.f32 v5, v5;
	v21 =	vmul.f32 v7, v17  }
0x69: {  	v23 =	vld [tilespmem:s9+$0x0];
	v9 =	vadd.f32 v9, v2;
	v20 =	vmul.f32 v7, v7;
	v26 =	vmul.f32 v12, v14  }
0x6a: {  	s8 =	simm.s32 $0x19E0;
	v24 =	vmul.f32 v12, v12;
	v5 =	vimm.f32 $0.0e+00;
	v10 =	vadd.f32 v0, v2;
	v0 =	vld [tilespmem:s9+$0x10]  }
0x6b: {  	s10 =	sadd.s32 $0xFFFFFFFF, s10;
	p0 =	por $0x1, $0x1;
	v7 =	vimm.f32 $0.0e+00;
	v12 =	vimm.f32 $0.0e+00;
	v11 =	vadd.f32 v8, v2;
	v8 =	vld [tilespmem:s8+$0x10]  }
.LBB2_8:
0x6c: {  	p1 =	sne.s32 s10, $0x1;
	v14 =	vld [tilespmem:s8+$0xFFFFFFE0];
	v17 =	vmul.f32 v22, v22;
	v5 =	vadd.f32 v19, v5;
	v7 =	vadd.f32 v21, v7;
	v18 =	vmovc v22  }
0x6d: {  	v12 =	vadd.f32 v20, v12;
	v27 =	vld [tilespmem:s8+$0xFFFFFFF0];
	v19 =	vmul.f32 v25, v25;
	v13 =	vadd.f32 v26, v13;
	v20 =	vmovc v25  }
0x6e: {  	s9 =	sadd.s32 $0x40, s9;
	v16 =	vadd.f32 v4, v16;
	v15 =	vadd.f32 v24, v15;
	v28 =	vld [tilespmem:s8+$0x0];
	v21 =	vmul.f32 v23, v23;
	v24 =	vmovc v23  }
.Ltmp5:
0x6f: {  	v1 =	vadd.f32 v17, v1;
	v22 =	vld [tilespmem:s9+$0xFFFFFFE0];
	v3 =	vadd.f32 v19, v3;
	v17 =	vmul.f32 v0, v0;
	(pc) =	sbr.rel @p1 .LBB2_8-.Ltmp5, $4  }
0x70: {  	v25 =	vld [tilespmem:s9+$0xFFFFFFF0];
	v6 =	vadd.f32 v21, v6;
	v4 =	vmul.f32 v8, v0;
	v8 =	vmul.f32 v8, v8  }
0x71: {  	v23 =	vld [tilespmem:s9+$0x0];
	v18 =	vmul.f32 v14, v18;
	v19 =	vmul.f32 v14, v14;
	v9 =	vadd.f32 v17, v9  }
0x72: {  	s8 =	sadd.s32 $0x40, s8;
	v0 =	vld [tilespmem:s9+$0x10];
	v21 =	vmul.f32 v27, v20;
	v20 =	vmul.f32 v27, v27;
	v10 =	vadd.f32 v8, v10  }
0x73: {  	s10 =	sadd.s32 $0xFFFFFFFF, s10;
	v8 =	vld [tilespmem:s8+$0x10];
	v11 =	vadd.f32 v18, v11;
	v26 =	vmul.f32 v28, v24;
	v24 =	vmul.f32 v28, v28  }
0x74: {  	_ =	sdelay $0x1  }
0x75: {  	v18 =	vmov v22;
	v17 =	vmov v25;
	v14 =	vmov v23  }
.LBB2_10:
0x76: {  	v19 =	vadd.f32 @p0 v19, v5;
	v5 =	vmul.f32 v18, v18  }
0x77: {  	v21 =	vadd.f32 @p0 v21, v7;
	v12 =	vadd.f32 @p0 v20, v12;
	v7 =	vmul.f32 v17, v17  }
0x78: {  	v22 =	vld [tilespmem:s8+$0xFFFFFFE0];
	v13 =	vadd.f32 @p0 v26, v13;
	v15 =	vadd.f32 @p0 v24, v15;
	v60 =	vmul.f32 v14, v14  }
0x79: {  	v23 =	vld [tilespmem:s8+$0xFFFFFFF0];
	v16 =	vadd.f32 @p0 v4, v16;
	v25 =	vmul.f32 v8, v0;
	v4 =	vadd.f32 v5, v1  }
0x7a: {  	v5 =	vadd.f32 v7, v3;
	v1 =	vmul.f32 v0, v0;
	v0 =	vmul.f32 v8, v8  }
0x7b: {  	v59 =	vld [tilespmem:s8+$0x0];
	v7 =	vadd.f32 v60, v6;
	v12 =	vpsel p0, v12, v2;
	v13 =	vpsel p0, v13, v2  }
0x7c: {  	v63 =	vpsel p0, v15, v2;
	v8 =	vadd.f32 v1, v9;
	v6 =	vadd.f32 v0, v10  }
0x7d: {  	v9 =	vpsel p0, v19, v2;
	v10 =	vpsel p0, v21, v2;
	v3 =	vmul.f32 v22, v18  }
0x7e: {  	v2 =	vpsel p0, v16, v2;
	v61 =	vmul.f32 v22, v22;
	v1 =	vmul.f32 v23, v17  }
0x7f: {  	v62 =	vmul.f32 v23, v23;
	v2 =	vadd.f32 v25, v2;
	v0 =	vadd.f32 v3, v11  }
0x80: {  	v3 =	vmul.f32 v59, v14;
	v11 =	vmul.f32 v59, v59;
	v9 =	vadd.f32 v61, v9  }
0x81: {  	v1 =	vadd.f32 v1, v10;
	v10 =	vadd.f32 v62, v12  }
0x82: {  	v3 =	vadd.f32 v3, v13;
	v11 =	vadd.f32 v11, v63  }
.LBB2_11:
0x83: {  	s8 =	simm.s32 $0x4;
	s9 =	sadd.s32 $0xFFFFFFE7, s5  }
0x84: {  	_ =	swait.ge [sflag:s8], $0x600;
	p0 =	sgt.u32 s9, $0x17  }
.Ltmp6:
0x85: {  	[sflag:s8] =	ssyncset.done $0x0;
	(pc) =	sbr.rel @p0 .LBB2_13-.Ltmp6, $4  }
0x86: {  	s31 =	simm.s32 $0x8;
	[sflag:s8] =	ssyncadd.s32 $0xFFFFFA00  }
0x87: {  	_ =	swait.ge [sflag:s31], $0x600  }
0x88: {  	[sflag:s31] =	ssyncset.done $0x0  }
0x89: {  	[sflag:s31] =	ssyncadd.s32 $0xFFFFFA00  }
0x8a: {  	v12 =	vld [tilespmem:s7+$0x100]  }
0x8b: {  	v13 =	vld [tilespmem:s7+$0x1980]  }
0x8c: {  	v14 =	vlaneseq.u32  }
0x8d: {  	v15 =	vor.u32 s7, v14  }
0x8e: {  	vm0 =	vlt.s32 v15, s4  }
0x8f: {  	v12 =	vnsel vm0, $0x0, v12  }
0x90: {  	v54 =	vnsel vm0, $0x0, v13;
	[tilespmem:s7+$0x100] =	vst v12  }
0x91: {  	[tilespmem:s7+$0x1980] =	vst v54  }
0x92: {  	v12 =	vld [tilespmem:s6+$0xD0]  }
0x93: {  	v55 =	vld [tilespmem:s6+$0x1950]  }
0x94: {  	s8 =	sadd.s32 $0xFFFFFFD0, s6;
	v56 =	vld [tilespmem:s6+$0xE0]  }
0x95: {  	v16 =	vor.u32 s8, v14;
	v17 =	vld [tilespmem:s6+$0x1960]  }
0x96: {  	s30 =	sadd.s32 $0xFFFFFFE0, s6;
	vm13 =	vlt.s32 v16, s4;
	v57 =	vld [tilespmem:s6+$0xF0]  }
0x97: {  	v18 =	vor.u32 s30, v14;
	v19 =	vld [tilespmem:s6+$0x1970];
	v12 =	vnsel vm13, $0x0, v12  }
0x98: {  	s31 =	sadd.s32 $0xFFFFFFF0, s6;
	vm14 =	vlt.s32 v18, s4;
	v58 =	vnsel vm13, $0x0, v55;
	[tilespmem:s6+$0xD0] =	vst v12  }
.Ltmp7:
0x99: {  	v60 =	vor.u32 s31, v14;
	v59 =	vnsel vm14, $0x0, v56;
	[tilespmem:s6+$0x1950] =	vst v58;
	(pc) =	sbr.rel .LBB2_14-.Ltmp7, $4  }
0x9a: {  	vm15 =	vlt.s32 v60, s4;
	v61 =	vnsel vm14, $0x0, v17;
	[tilespmem:s6+$0xE0] =	vst v59  }
0x9b: {  	v62 =	vnsel vm15, $0x0, v57;
	[tilespmem:s6+$0x1960] =	vst v61  }
0x9c: {  	v63 =	vnsel vm15, $0x0, v19;
	[tilespmem:s6+$0xF0] =	vst v62  }
0x9d: {  	[tilespmem:s6+$0x1970] =	vst v63  }
.LBB2_13:
0x9e: {  	p0 =	slt.s32 s5, $0x19  }
.Ltmp8:
0x9f: {  	_ = 	snop;
	(pc) =	sbr.rel @p0 .LBB2_21-.Ltmp8, $1  }
0xa0: {  	_ =	sdelay $0x3  }
.LBB2_14:
0xa1: {  	s8 =	smin.u32 s5, $0x30  }
0xa2: {  	s10 =	sadd.s32 $0xFFFFFFE8, s8  }
0xa3: {  	s9 =	simm.s32 $0x730;
	p1 =	sne.s32 s10, $0x1  }
.Ltmp9:
0xa4: {  	v21 =	vld [tilespmem:s9+$0xFFFFFFD0];
	(pc) =	sbr.rel @!p1 .LBB2_15-.Ltmp9, $4  }
0xa5: {  	v19 =	vld [tilespmem:s9+$0xFFFFFFE0]  }
0xa6: {  	v16 =	vld [tilespmem:s9+$0xFFFFFFF0]  }
0xa7: {  	s8 =	simm.s32 $0x1FB0;
	v12 =	vld [tilespmem:s9+$0x0]  }
0xa8: {  	p0 =	por $0x0, $0x0;
	v13 =	vld [tilespmem:s8+$0x0];
	s10 =	sadd.s32 $0xFFFFFFFF, s10  }
0xa9: {  	v15 =	vld [tilespmem:s8+$0xFFFFFFD0]  }
0xaa: {  	v17 =	vld [tilespmem:s8+$0xFFFFFFE0]  }
0xab: {  	v14 =	vmul.f32 v21, v21;
	v20 =	vld [tilespmem:s8+$0xFFFFFFF0]  }
0xac: {  	s9 =	simm.s32 $0x770;
	p1 =	sne.s32 s10, $0x1;
	v18 =	vmul.f32 v19, v19;
	v22 =	vmul.f32 v16, v16  }
.Ltmp10:
0xad: {  	v27 =	vld [tilespmem:s9+$0xFFFFFFD0];
	v4 =	vadd.f32 v14, v4;
	v62 =	vmul.f32 v12, v12;
	v14 =	vmul.f32 v13, v12;
	(pc) =	sbr.rel @!p1 .LBB2_42-.Ltmp10, $4  }
0xae: {  	v26 =	vld [tilespmem:s9+$0xFFFFFFE0];
	v5 =	vadd.f32 v18, v5;
	v13 =	vmul.f32 v13, v13;
	v63 =	vmul.f32 v15, v21  }
0xaf: {  	v24 =	vld [tilespmem:s9+$0xFFFFFFF0];
	v7 =	vadd.f32 v22, v7;
	v25 =	vmul.f32 v15, v15;
	v29 =	vmul.f32 v17, v19  }
0xb0: {  	s8 =	simm.s32 $0x1FF0;
	v12 =	vld [tilespmem:s9+$0x0];
	v8 =	vadd.f32 v62, v8;
	v28 =	vmul.f32 v17, v17;
	v31 =	vmul.f32 v20, v16  }
0xb1: {  	s10 =	sadd.s32 $0xFFFFFFFF, s10;
	p0 =	por $0x1, $0x1;
	v30 =	vmul.f32 v20, v20;
	v6 =	vadd.f32 v13, v6;
	v13 =	vld [tilespmem:s8+$0x0];
	v0 =	vadd.f32 v63, v0  }
0xb2: {  	v15 =	vmov v9  }
0xb3: {  	v17 =	vmovc v1;
	v18 =	vmovc v10;
	v20 =	vmov v3;
	v22 =	vmov v11;
	v23 =	vmov v2  }
.LBB2_18:
0xb4: {  	p1 =	sne.s32 s10, $0x1;
	v16 =	vld [tilespmem:s8+$0xFFFFFFD0];
	v19 =	vmul.f32 v27, v27;
	v15 =	vadd.f32 v25, v15;
	v17 =	vadd.f32 v29, v17;
	v21 =	vmovc v27  }
0xb5: {  	v18 =	vadd.f32 v28, v18;
	v32 =	vld [tilespmem:s8+$0xFFFFFFE0];
	v25 =	vmul.f32 v26, v26;
	v20 =	vadd.f32 v31, v20;
	v28 =	vmovc v26  }
0xb6: {  	s9 =	sadd.s32 $0x40, s9;
	v23 =	vadd.f32 v14, v23;
	v22 =	vadd.f32 v30, v22;
	v33 =	vld [tilespmem:s8+$0xFFFFFFF0];
	v29 =	vmul.f32 v24, v24;
	v30 =	vmovc v24  }
.Ltmp11:
0xb7: {  	v4 =	vadd.f32 v19, v4;
	v27 =	vld [tilespmem:s9+$0xFFFFFFD0];
	v5 =	vadd.f32 v25, v5;
	v19 =	vmul.f32 v12, v12;
	(pc) =	sbr.rel @p1 .LBB2_18-.Ltmp11, $4  }
0xb8: {  	v26 =	vld [tilespmem:s9+$0xFFFFFFE0];
	v7 =	vadd.f32 v29, v7;
	v14 =	vmul.f32 v13, v12;
	v13 =	vmul.f32 v13, v13  }
0xb9: {  	v24 =	vld [tilespmem:s9+$0xFFFFFFF0];
	v21 =	vmul.f32 v16, v21;
	v25 =	vmul.f32 v16, v16;
	v8 =	vadd.f32 v19, v8  }
0xba: {  	s8 =	sadd.s32 $0x40, s8;
	v12 =	vld [tilespmem:s9+$0x0];
	v29 =	vmul.f32 v32, v28;
	v28 =	vmul.f32 v32, v32;
	v6 =	vadd.f32 v13, v6  }
0xbb: {  	s10 =	sadd.s32 $0xFFFFFFFF, s10;
	v13 =	vld [tilespmem:s8+$0x0];
	v0 =	vadd.f32 v21, v0;
	v31 =	vmul.f32 v33, v30;
	v30 =	vmul.f32 v33, v33  }
0xbc: {  	_ =	sdelay $0x1  }
0xbd: {  	v21 =	vmov v27;
	v19 =	vmov v26;
	v16 =	vmov v24  }
.LBB2_20:
0xbe: {  	v15 =	vadd.f32 @p0 v25, v15  }
0xbf: {  	v53 =	vmul.f32 v21, v21;
	v17 =	vadd.f32 @p0 v29, v17;
	v18 =	vadd.f32 @p0 v28, v18  }
0xc0: {  	v24 =	vld [tilespmem:s8+$0xFFFFFFD0];
	v27 =	vmul.f32 v19, v19;
	v20 =	vadd.f32 @p0 v31, v20;
	v22 =	vadd.f32 @p0 v30, v22  }
0xc1: {  	v26 =	vld [tilespmem:s8+$0xFFFFFFE0];
	v55 =	vmul.f32 v16, v16;
	v14 =	vadd.f32 @p0 v14, v23;
	v56 =	vmul.f32 v12, v12  }
0xc2: {  	v54 =	vld [tilespmem:s8+$0xFFFFFFF0];
	v57 =	vmul.f32 v13, v12;
	v4 =	vadd.f32 v53, v4;
	v5 =	vadd.f32 v27, v5  }
0xc3: {  	v58 =	vmul.f32 v13, v13;
	v7 =	vadd.f32 v55, v7;
	v8 =	vadd.f32 v56, v8  }
0xc4: {  	v9 =	vpsel p0, v15, v9;
	v1 =	vpsel p0, v17, v1;
	v10 =	vpsel p0, v18, v10  }
0xc5: {  	v3 =	vpsel p0, v20, v3;
	v2 =	vpsel p0, v14, v2;
	v59 =	vmul.f32 v24, v21  }
0xc6: {  	v6 =	vadd.f32 v58, v6;
	v24 =	vmul.f32 v24, v24;
	v60 =	vmul.f32 v26, v19  }
0xc7: {  	v2 =	vadd.f32 v57, v2;
	v61 =	vmul.f32 v26, v26;
	v62 =	vmul.f32 v54, v16  }
0xc8: {  	v63 =	vmul.f32 v54, v54;
	v0 =	vadd.f32 v59, v0;
	v9 =	vadd.f32 v24, v9  }
0xc9: {  	v11 =	vpsel p0, v22, v11;
	v1 =	vadd.f32 v60, v1;
	v10 =	vadd.f32 v61, v10  }
0xca: {  	v3 =	vadd.f32 v62, v3;
	v11 =	vadd.f32 v63, v11  }
.LBB2_21:
0xcb: {  	s8 =	simm.s32 $0x5;
	s31 =	sadd.s32 $0xFFFFFFCF, s5  }
0xcc: {  	_ =	swait.ge [sflag:s8], $0x600;
	p0 =	sgt.u32 s31, $0x17  }
.Ltmp12:
0xcd: {  	[sflag:s8] =	ssyncset.done $0x0;
	(pc) =	sbr.rel @p0 .LBB2_23-.Ltmp12, $4  }
0xce: {  	s9 =	simm.s32 $0x9;
	[sflag:s8] =	ssyncadd.s32 $0xFFFFFA00  }
0xcf: {  	_ =	swait.ge [sflag:s9], $0x600  }
0xd0: {  	[sflag:s9] =	ssyncset.done $0x0  }
0xd1: {  	s8 =	sshll.u32 s3, $0x4;
	[sflag:s9] =	ssyncadd.s32 $0xFFFFFA00  }
0xd2: {  	v12 =	vld [tilespmem:s7+$0x100]  }
0xd3: {  	v13 =	vld [tilespmem:s7+$0x1980]  }
0xd4: {  	v14 =	vlaneseq.u32  }
0xd5: {  	v15 =	vor.u32 s7, v14  }
0xd6: {  	vm0 =	vlt.s32 v15, s4  }
0xd7: {  	v12 =	vnsel vm0, $0x0, v12  }
0xd8: {  	v54 =	vnsel vm0, $0x0, v13;
	[tilespmem:s7+$0x100] =	vst v12  }
0xd9: {  	[tilespmem:s7+$0x1980] =	vst v54  }
0xda: {  	v12 =	vld [tilespmem:s6+$0xD0]  }
0xdb: {  	v55 =	vld [tilespmem:s6+$0x1950]  }
0xdc: {  	s9 =	sadd.s32 $0xFFFFFFD0, s6;
	v56 =	vld [tilespmem:s6+$0xE0]  }
0xdd: {  	v16 =	vor.u32 s9, v14;
	v17 =	vld [tilespmem:s6+$0x1960]  }
0xde: {  	s30 =	sadd.s32 $0xFFFFFFE0, s6;
	vm13 =	vlt.s32 v16, s4;
	v57 =	vld [tilespmem:s6+$0xF0]  }
0xdf: {  	v18 =	vor.u32 s30, v14;
	v19 =	vld [tilespmem:s6+$0x1970];
	v12 =	vnsel vm13, $0x0, v12  }
0xe0: {  	s31 =	sadd.s32 $0xFFFFFFF0, s6;
	vm14 =	vlt.s32 v18, s4;
	v58 =	vnsel vm13, $0x0, v55;
	[tilespmem:s6+$0xD0] =	vst v12  }
.Ltmp13:
0xe1: {  	v60 =	vor.u32 s31, v14;
	v59 =	vnsel vm14, $0x0, v56;
	[tilespmem:s6+$0x1950] =	vst v58;
	(pc) =	sbr.rel .LBB2_24-.Ltmp13, $4  }
0xe2: {  	vm15 =	vlt.s32 v60, s4;
	v61 =	vnsel vm14, $0x0, v17;
	[tilespmem:s6+$0xE0] =	vst v59  }
0xe3: {  	v62 =	vnsel vm15, $0x0, v57;
	[tilespmem:s6+$0x1960] =	vst v61  }
0xe4: {  	v63 =	vnsel vm15, $0x0, v19;
	[tilespmem:s6+$0xF0] =	vst v62  }
0xe5: {  	[tilespmem:s6+$0x1970] =	vst v63  }
.LBB2_23:
0xe6: {  	p0 =	slt.s32 s5, $0x31  }
.Ltmp14:
0xe7: {  	_ = 	snop;
	(pc) =	sbr.rel @p0 .LBB2_31-.Ltmp14, $1  }
0xe8: {  	_ =	sdelay $0x3  }
.LBB2_24:
0xe9: {  	s9 =	smin.u32 s5, $0x48  }
0xea: {  	s11 =	sadd.s32 $0xFFFFFFD0, s9  }
0xeb: {  	s10 =	simm.s32 $0xD30;
	p1 =	sne.s32 s11, $0x1  }
.Ltmp15:
0xec: {  	v21 =	vld [tilespmem:s10+$0xFFFFFFD0];
	(pc) =	sbr.rel @!p1 .LBB2_25-.Ltmp15, $4  }
0xed: {  	v19 =	vld [tilespmem:s10+$0xFFFFFFE0]  }
0xee: {  	v16 =	vld [tilespmem:s10+$0xFFFFFFF0]  }
0xef: {  	s9 =	simm.s32 $0x25B0;
	v12 =	vld [tilespmem:s10+$0x0]  }
0xf0: {  	p0 =	por $0x0, $0x0;
	v13 =	vld [tilespmem:s9+$0x0];
	s11 =	sadd.s32 $0xFFFFFFFF, s11  }
0xf1: {  	v15 =	vld [tilespmem:s9+$0xFFFFFFD0]  }
0xf2: {  	v17 =	vld [tilespmem:s9+$0xFFFFFFE0]  }
0xf3: {  	v14 =	vmul.f32 v21, v21;
	v20 =	vld [tilespmem:s9+$0xFFFFFFF0]  }
0xf4: {  	s10 =	simm.s32 $0xD70;
	p1 =	sne.s32 s11, $0x1;
	v18 =	vmul.f32 v19, v19;
	v22 =	vmul.f32 v16, v16  }
.Ltmp16:
0xf5: {  	v27 =	vld [tilespmem:s10+$0xFFFFFFD0];
	v4 =	vadd.f32 v14, v4;
	v62 =	vmul.f32 v12, v12;
	v14 =	vmul.f32 v13, v12;
	(pc) =	sbr.rel @!p1 .LBB2_43-.Ltmp16, $4  }
0xf6: {  	v26 =	vld [tilespmem:s10+$0xFFFFFFE0];
	v5 =	vadd.f32 v18, v5;
	v13 =	vmul.f32 v13, v13;
	v63 =	vmul.f32 v15, v21  }
0xf7: {  	v24 =	vld [tilespmem:s10+$0xFFFFFFF0];
	v7 =	vadd.f32 v22, v7;
	v25 =	vmul.f32 v15, v15;
	v29 =	vmul.f32 v17, v19  }
0xf8: {  	s9 =	simm.s32 $0x25F0;
	v12 =	vld [tilespmem:s10+$0x0];
	v8 =	vadd.f32 v62, v8;
	v28 =	vmul.f32 v17, v17;
	v31 =	vmul.f32 v20, v16  }
0xf9: {  	s11 =	sadd.s32 $0xFFFFFFFF, s11;
	p0 =	por $0x1, $0x1;
	v30 =	vmul.f32 v20, v20;
	v6 =	vadd.f32 v13, v6;
	v13 =	vld [tilespmem:s9+$0x0];
	v0 =	vadd.f32 v63, v0  }
0xfa: {  	v15 =	vmov v9  }
0xfb: {  	v17 =	vmovc v1;
	v18 =	vmovc v10;
	v20 =	vmov v3;
	v22 =	vmov v11;
	v23 =	vmov v2  }
.LBB2_28:
0xfc: {  	p1 =	sne.s32 s11, $0x1;
	v16 =	vld [tilespmem:s9+$0xFFFFFFD0];
	v19 =	vmul.f32 v27, v27;
	v15 =	vadd.f32 v25, v15;
	v17 =	vadd.f32 v29, v17;
	v21 =	vmovc v27  }
0xfd: {  	v18 =	vadd.f32 v28, v18;
	v32 =	vld [tilespmem:s9+$0xFFFFFFE0];
	v25 =	vmul.f32 v26, v26;
	v20 =	vadd.f32 v31, v20;
	v28 =	vmovc v26  }
0xfe: {  	s10 =	sadd.s32 $0x40, s10;
	v23 =	vadd.f32 v14, v23;
	v22 =	vadd.f32 v30, v22;
	v33 =	vld [tilespmem:s9+$0xFFFFFFF0];
	v29 =	vmul.f32 v24, v24;
	v30 =	vmovc v24  }
.Ltmp17:
0xff: {  	v4 =	vadd.f32 v19, v4;
	v27 =	vld [tilespmem:s10+$0xFFFFFFD0];
	v5 =	vadd.f32 v25, v5;
	v19 =	vmul.f32 v12, v12;
	(pc) =	sbr.rel @p1 .LBB2_28-.Ltmp17, $4  }
0x100: {  	v26 =	vld [tilespmem:s10+$0xFFFFFFE0];
	v7 =	vadd.f32 v29, v7;
	v14 =	vmul.f32 v13, v12;
	v13 =	vmul.f32 v13, v13  }
0x101: {  	v24 =	vld [tilespmem:s10+$0xFFFFFFF0];
	v21 =	vmul.f32 v16, v21;
	v25 =	vmul.f32 v16, v16;
	v8 =	vadd.f32 v19, v8  }
0x102: {  	s9 =	sadd.s32 $0x40, s9;
	v12 =	vld [tilespmem:s10+$0x0];
	v29 =	vmul.f32 v32, v28;
	v28 =	vmul.f32 v32, v32;
	v6 =	vadd.f32 v13, v6  }
0x103: {  	s11 =	sadd.s32 $0xFFFFFFFF, s11;
	v13 =	vld [tilespmem:s9+$0x0];
	v0 =	vadd.f32 v21, v0;
	v31 =	vmul.f32 v33, v30;
	v30 =	vmul.f32 v33, v33  }
0x104: {  	_ =	sdelay $0x1  }
0x105: {  	v21 =	vmov v27;
	v19 =	vmov v26;
	v16 =	vmov v24  }
.LBB2_30:
0x106: {  	v15 =	vadd.f32 @p0 v25, v15  }
0x107: {  	v53 =	vmul.f32 v21, v21;
	v17 =	vadd.f32 @p0 v29, v17;
	v18 =	vadd.f32 @p0 v28, v18  }
0x108: {  	v24 =	vld [tilespmem:s9+$0xFFFFFFD0];
	v27 =	vmul.f32 v19, v19;
	v20 =	vadd.f32 @p0 v31, v20;
	v22 =	vadd.f32 @p0 v30, v22  }
0x109: {  	v26 =	vld [tilespmem:s9+$0xFFFFFFE0];
	v55 =	vmul.f32 v16, v16;
	v14 =	vadd.f32 @p0 v14, v23;
	v56 =	vmul.f32 v12, v12  }
0x10a: {  	v54 =	vld [tilespmem:s9+$0xFFFFFFF0];
	v57 =	vmul.f32 v13, v12;
	v4 =	vadd.f32 v53, v4;
	v5 =	vadd.f32 v27, v5  }
0x10b: {  	v58 =	vmul.f32 v13, v13;
	v7 =	vadd.f32 v55, v7;
	v8 =	vadd.f32 v56, v8  }
0x10c: {  	v9 =	vpsel p0, v15, v9;
	v1 =	vpsel p0, v17, v1;
	v10 =	vpsel p0, v18, v10  }
0x10d: {  	v3 =	vpsel p0, v20, v3;
	v2 =	vpsel p0, v14, v2;
	v59 =	vmul.f32 v24, v21  }
0x10e: {  	v6 =	vadd.f32 v58, v6;
	v24 =	vmul.f32 v24, v24;
	v60 =	vmul.f32 v26, v19  }
0x10f: {  	v2 =	vadd.f32 v57, v2;
	v61 =	vmul.f32 v26, v26;
	v62 =	vmul.f32 v54, v16  }
0x110: {  	v63 =	vmul.f32 v54, v54;
	v0 =	vadd.f32 v59, v0;
	v9 =	vadd.f32 v24, v9  }
0x111: {  	v11 =	vpsel p0, v22, v11;
	v1 =	vadd.f32 v60, v1;
	v10 =	vadd.f32 v61, v10  }
0x112: {  	v3 =	vadd.f32 v62, v3;
	v11 =	vadd.f32 v63, v11  }
.LBB2_31:
0x113: {  	s9 =	simm.s32 $0x6;
	s10 =	sadd.s32 $0xFFFFFFB7, s5  }
0x114: {  	_ =	swait.ge [sflag:s9], $0x610;
	p0 =	sgt.u32 s10, $0x18  }
.Ltmp18:
0x115: {  	[sflag:s9] =	ssyncset.done $0x0;
	(pc) =	sbr.rel @p0 .LBB2_33-.Ltmp18, $4  }
0x116: {  	s31 =	simm.s32 $0xA;
	[sflag:s9] =	ssyncadd.s32 $0xFFFFF9F0  }
0x117: {  	_ =	swait.ge [sflag:s31], $0x610  }
0x118: {  	[sflag:s31] =	ssyncset.done $0x0  }
0x119: {  	s8 =	sadd.s32 s8, s2;
	[sflag:s31] =	ssyncadd.s32 $0xFFFFF9F0  }
0x11a: {  	v12 =	vld [tilespmem:s7+$0x100]  }
0x11b: {  	v13 =	vld [tilespmem:s7+$0x1980]  }
0x11c: {  	v14 =	vlaneseq.u32  }
0x11d: {  	v15 =	vor.u32 s7, v14  }
0x11e: {  	vm0 =	vlt.s32 v15, s4  }
0x11f: {  	v12 =	vnsel vm0, $0x0, v12  }
0x120: {  	v54 =	vnsel vm0, $0x0, v13;
	[tilespmem:s7+$0x100] =	vst v12  }
0x121: {  	[tilespmem:s7+$0x1980] =	vst v54  }
0x122: {  	v12 =	vld [tilespmem:s6+$0xD0]  }
0x123: {  	v55 =	vld [tilespmem:s6+$0x1950]  }
0x124: {  	s29 =	sadd.s32 $0xFFFFFFD0, s6;
	v56 =	vld [tilespmem:s6+$0xE0]  }
0x125: {  	v16 =	vor.u32 s29, v14;
	v17 =	vld [tilespmem:s6+$0x1960]  }
0x126: {  	s30 =	sadd.s32 $0xFFFFFFE0, s6;
	vm13 =	vlt.s32 v16, s4;
	v57 =	vld [tilespmem:s6+$0xF0]  }
0x127: {  	v18 =	vor.u32 s30, v14;
	v19 =	vld [tilespmem:s6+$0x1970];
	v12 =	vnsel vm13, $0x0, v12  }
0x128: {  	s31 =	sadd.s32 $0xFFFFFFF0, s6;
	vm14 =	vlt.s32 v18, s4;
	v58 =	vnsel vm13, $0x0, v55;
	[tilespmem:s6+$0xD0] =	vst v12  }
.Ltmp19:
0x129: {  	v60 =	vor.u32 s31, v14;
	v59 =	vnsel vm14, $0x0, v56;
	[tilespmem:s6+$0x1950] =	vst v58;
	(pc) =	sbr.rel .LBB2_34-.Ltmp19, $4  }
0x12a: {  	vm15 =	vlt.s32 v60, s4;
	v61 =	vnsel vm14, $0x0, v17;
	[tilespmem:s6+$0xE0] =	vst v59  }
0x12b: {  	v62 =	vnsel vm15, $0x0, v57;
	[tilespmem:s6+$0x1960] =	vst v61  }
0x12c: {  	v63 =	vnsel vm15, $0x0, v19;
	[tilespmem:s6+$0xF0] =	vst v62  }
0x12d: {  	[tilespmem:s6+$0x1970] =	vst v63  }
.LBB2_33:
0x12e: {  	p0 =	slt.s32 s5, $0x49  }
.Ltmp20:
0x12f: {  	_ = 	snop;
	(pc) =	sbr.rel @p0 .LBB2_41-.Ltmp20, $1  }
0x130: {  	_ =	sdelay $0x3  }
.LBB2_34:
0x131: {  	s4 =	smin.u32 s5, $0x61  }
0x132: {  	s5 =	sadd.s32 $0xFFFFFFB8, s4  }
0x133: {  	s6 =	simm.s32 $0x1330;
	p1 =	sne.s32 s5, $0x1  }
.Ltmp21:
0x134: {  	v21 =	vld [tilespmem:s6+$0xFFFFFFD0];
	(pc) =	sbr.rel @!p1 .LBB2_35-.Ltmp21, $4  }
0x135: {  	v19 =	vld [tilespmem:s6+$0xFFFFFFE0]  }
0x136: {  	v16 =	vld [tilespmem:s6+$0xFFFFFFF0]  }
0x137: {  	s4 =	simm.s32 $0x2BB0;
	v12 =	vld [tilespmem:s6+$0x0]  }
0x138: {  	p0 =	por $0x0, $0x0;
	v13 =	vld [tilespmem:s4+$0x0];
	s6 =	sadd.s32 $0xFFFFFFFF, s5  }
0x139: {  	v15 =	vld [tilespmem:s4+$0xFFFFFFD0]  }
0x13a: {  	v17 =	vld [tilespmem:s4+$0xFFFFFFE0]  }
0x13b: {  	v14 =	vmul.f32 v21, v21;
	v20 =	vld [tilespmem:s4+$0xFFFFFFF0]  }
0x13c: {  	s5 =	simm.s32 $0x1370;
	p1 =	sne.s32 s6, $0x1;
	v18 =	vmul.f32 v19, v19;
	v22 =	vmul.f32 v16, v16  }
.Ltmp22:
0x13d: {  	v27 =	vld [tilespmem:s5+$0xFFFFFFD0];
	v4 =	vadd.f32 v14, v4;
	v62 =	vmul.f32 v12, v12;
	v14 =	vmul.f32 v13, v12;
	(pc) =	sbr.rel @!p1 .LBB2_44-.Ltmp22, $4  }
0x13e: {  	v26 =	vld [tilespmem:s5+$0xFFFFFFE0];
	v5 =	vadd.f32 v18, v5;
	v13 =	vmul.f32 v13, v13;
	v63 =	vmul.f32 v15, v21  }
0x13f: {  	v24 =	vld [tilespmem:s5+$0xFFFFFFF0];
	v7 =	vadd.f32 v22, v7;
	v25 =	vmul.f32 v15, v15;
	v29 =	vmul.f32 v17, v19  }
0x140: {  	s4 =	simm.s32 $0x2BF0;
	v12 =	vld [tilespmem:s5+$0x0];
	v8 =	vadd.f32 v62, v8;
	v28 =	vmul.f32 v17, v17;
	v31 =	vmul.f32 v20, v16  }
0x141: {  	s6 =	sadd.s32 $0xFFFFFFFF, s6;
	p0 =	por $0x1, $0x1;
	v30 =	vmul.f32 v20, v20;
	v6 =	vadd.f32 v13, v6;
	v13 =	vld [tilespmem:s4+$0x0];
	v0 =	vadd.f32 v63, v0  }
0x142: {  	v15 =	vmov v9  }
0x143: {  	v17 =	vmovc v1;
	v18 =	vmovc v10;
	v20 =	vmov v3;
	v22 =	vmov v11;
	v23 =	vmov v2  }
.LBB2_38:
0x144: {  	p1 =	sne.s32 s6, $0x1;
	v16 =	vld [tilespmem:s4+$0xFFFFFFD0];
	v19 =	vmul.f32 v27, v27;
	v15 =	vadd.f32 v25, v15;
	v17 =	vadd.f32 v29, v17;
	v21 =	vmovc v27  }
0x145: {  	v18 =	vadd.f32 v28, v18;
	v32 =	vld [tilespmem:s4+$0xFFFFFFE0];
	v25 =	vmul.f32 v26, v26;
	v20 =	vadd.f32 v31, v20;
	v28 =	vmovc v26  }
0x146: {  	s5 =	sadd.s32 $0x40, s5;
	v23 =	vadd.f32 v14, v23;
	v22 =	vadd.f32 v30, v22;
	v33 =	vld [tilespmem:s4+$0xFFFFFFF0];
	v29 =	vmul.f32 v24, v24;
	v30 =	vmovc v24  }
.Ltmp23:
0x147: {  	v4 =	vadd.f32 v19, v4;
	v27 =	vld [tilespmem:s5+$0xFFFFFFD0];
	v5 =	vadd.f32 v25, v5;
	v19 =	vmul.f32 v12, v12;
	(pc) =	sbr.rel @p1 .LBB2_38-.Ltmp23, $4  }
0x148: {  	v26 =	vld [tilespmem:s5+$0xFFFFFFE0];
	v7 =	vadd.f32 v29, v7;
	v14 =	vmul.f32 v13, v12;
	v13 =	vmul.f32 v13, v13  }
0x149: {  	v24 =	vld [tilespmem:s5+$0xFFFFFFF0];
	v21 =	vmul.f32 v16, v21;
	v25 =	vmul.f32 v16, v16;
	v8 =	vadd.f32 v19, v8  }
0x14a: {  	s4 =	sadd.s32 $0x40, s4;
	v12 =	vld [tilespmem:s5+$0x0];
	v29 =	vmul.f32 v32, v28;
	v28 =	vmul.f32 v32, v32;
	v6 =	vadd.f32 v13, v6  }
0x14b: {  	s6 =	sadd.s32 $0xFFFFFFFF, s6;
	v13 =	vld [tilespmem:s4+$0x0];
	v0 =	vadd.f32 v21, v0;
	v31 =	vmul.f32 v33, v30;
	v30 =	vmul.f32 v33, v33  }
0x14c: {  	_ =	sdelay $0x1  }
0x14d: {  	v21 =	vmov v27;
	v19 =	vmov v26;
	v16 =	vmov v24  }
.LBB2_40:
0x14e: {  	v15 =	vadd.f32 @p0 v25, v15  }
0x14f: {  	v53 =	vmul.f32 v21, v21;
	v17 =	vadd.f32 @p0 v29, v17;
	v18 =	vadd.f32 @p0 v28, v18  }
0x150: {  	v24 =	vld [tilespmem:s4+$0xFFFFFFD0];
	v27 =	vmul.f32 v19, v19;
	v20 =	vadd.f32 @p0 v31, v20;
	v22 =	vadd.f32 @p0 v30, v22  }
0x151: {  	v26 =	vld [tilespmem:s4+$0xFFFFFFE0];
	v55 =	vmul.f32 v16, v16;
	v14 =	vadd.f32 @p0 v14, v23;
	v56 =	vmul.f32 v12, v12  }
0x152: {  	v54 =	vld [tilespmem:s4+$0xFFFFFFF0];
	v57 =	vmul.f32 v13, v12;
	v4 =	vadd.f32 v53, v4;
	v5 =	vadd.f32 v27, v5  }
0x153: {  	v58 =	vmul.f32 v13, v13;
	v7 =	vadd.f32 v55, v7;
	v8 =	vadd.f32 v56, v8  }
0x154: {  	v9 =	vpsel p0, v15, v9;
	v1 =	vpsel p0, v17, v1;
	v10 =	vpsel p0, v18, v10  }
0x155: {  	v3 =	vpsel p0, v20, v3;
	v2 =	vpsel p0, v14, v2;
	v59 =	vmul.f32 v24, v21  }
0x156: {  	v6 =	vadd.f32 v58, v6;
	v24 =	vmul.f32 v24, v24;
	v60 =	vmul.f32 v26, v19  }
0x157: {  	v2 =	vadd.f32 v57, v2;
	v61 =	vmul.f32 v26, v26;
	v62 =	vmul.f32 v54, v16  }
0x158: {  	v63 =	vmul.f32 v54, v54;
	v0 =	vadd.f32 v59, v0;
	v9 =	vadd.f32 v24, v9  }
0x159: {  	v11 =	vpsel p0, v22, v11;
	v1 =	vadd.f32 v60, v1;
	v10 =	vadd.f32 v61, v10  }
0x15a: {  	v3 =	vadd.f32 v62, v3;
	v11 =	vadd.f32 v63, v11  }
.LBB2_41:
0x15b: {  	v43 =	vimm.s32 $0xFEDCBA98  }
0x15c: {  	v4 =	vadd.f32 v5, v4;
	v44 =	vimm.s32 $0x76543210;
	v5 =	vunpack.c.l.s4.s8 v43  }
0x15d: {  	v7 =	vadd.f32 v8, v7;
	v45 =	vimm.s32 $0xBA98FEDC;
	v8 =	vunpack.c.l.s4.s8 v44  }
0x15e: {  	v12 =	vimm.s32 $0x32107654;
	v9 =	vadd.f32 v10, v9;
	v5 =	vunpack.c.0.s8.s32 v5  }
0x15f: {  	v46 =	vunpack.c.l.s4.s8 v12;
	v6 =	vadd.f32 v6, v11;
	v8 =	vunpack.c.0.s8.s32 v8  }
0x160: {  	v4 =	vadd.f32 v7, v4;
	v7 =	vunpack.c.l.s4.s8 v45;
	v5 =	vand.u32 $0xF, v5  }
0x161: {  	v48 =	vimm.s32 $0xDCFE98BA;
	v49 =	vimm.s32 $0x54761032;
	v5 =	vcombine.low v5, v8  }
0x162: {  	v47 =	vunpack.c.0.s8.s32 v46;
	v6 =	vadd.f32 v6, v9;
	v7 =	vunpack.c.0.s8.s32 v7  }
0x163: {  	v50 =	vunpack.c.l.s4.s8 v48;
	v51 =	vunpack.c.l.s4.s8 v49;
	v52 =	vperm.xlane v4, v5  }
0x164: {  	v7 =	vcombine.low v47, v7;
	v53 =	vperm.xlane v6, v5  }
0x165: {  	v9 =	vunpack.c.0.s8.s32 v50;
	v10 =	vunpack.c.0.s8.s32 v51;
	v4 =	vadd.f32 v52, v4  }
0x166: {  	v55 =	vimm.s32 $0xEFCDAB89;
	v7 =	vand.u32 $0xF, v7;
	v6 =	vadd.f32 v53, v6  }
0x167: {  	v56 =	vimm.s32 $0x67452301;
	v54 =	vcombine.low v10, v9;
	v57 =	vperm.xlane v4, v7  }
0x168: {  	v9 =	vunpack.c.l.s4.s8 v55;
	v10 =	vunpack.c.l.s4.s8 v56;
	v58 =	vperm.xlane v6, v7  }
0x169: {  	v8 =	vand.u32 $0xF, v54;
	v4 =	vadd.f32 v57, v4  }
0x16a: {  	v9 =	vunpack.c.0.s8.s32 v9;
	v10 =	vunpack.c.0.s8.s32 v10;
	v6 =	vadd.f32 v58, v6  }
0x16b: {  	v11 =	vperm.xlane v4, v8  }
0x16c: {  	v9 =	vcombine.low v10, v9;
	v59 =	vperm.xlane v6, v8  }
0x16d: {  	v4 =	vadd.f32 v11, v4  }
0x16e: {  	v9 =	vand.u32 $0xF, v9;
	v6 =	vadd.f32 v59, v6  }
0x16f: {  	v60 =	vperm.xlane v4, v9  }
0x170: {  	v61 =	vperm.xlane v6, v9  }
0x171: {  	v4 =	vadd.f32 v60, v4  }
0x172: {  	v6 =	vadd.f32 v61, v6  }
0x173: {  	(v2sf) =	vpush v4, $0x0  }
0x174: {  	(v2sf) =	vpush v6, $0x0;
	_ =	sdelay $0xd  }
0x175: {  	s4 =	spop (v2sf)  }
0x176: {  	s4 =	sadd.f32 $9.999999960e-13, s4;
	s5 =	spop (v2sf)  }
0x177: {  	s5 =	sadd.f32 $9.999999960e-13, s5;
	_ =	sdelay $0x1  }
0x178: {  	v0 =	vadd.f32 v1, v0;
	v62 =	vadd.f32 v2, v3;
	s4 =	smul.f32 s5, s4;
	_ =	sdelay $0x1  }
0x179: {  	v0 =	vadd.f32 v62, v0;
	s5 =	sshra.s32 s4, $0x1;
	s4 =	smul.f32 $5.000000000e-01, s4  }
0x17a: {  	s5 =	ssub.s32 $0x5F3759DF, s5  }
0x17b: {  	v1 =	vperm.xlane v0, v5;
	s6 =	smul.f32 s5, s4;
	_ =	sdelay $0x1  }
0x17c: {  	v0 =	vadd.f32 v1, v0;
	s6 =	smul.f32 s5, s6;
	_ =	sdelay $0x1  }
0x17d: {  	v1 =	vperm.xlane v0, v7;
	s6 =	ssub.f32 $1.500000000e+00, s6;
	_ =	sdelay $0x1  }
0x17e: {  	v0 =	vadd.f32 v1, v0;
	s5 =	smul.f32 s5, s6;
	_ =	sdelay $0x1  }
0x17f: {  	v1 =	vperm.xlane v0, v8;
	s6 =	smul.f32 s5, s4;
	_ =	sdelay $0x1  }
0x180: {  	v0 =	vadd.f32 v1, v0;
	s6 =	smul.f32 s6, s5;
	_ =	sdelay $0x1  }
0x181: {  	v1 =	vperm.xlane v0, v9;
	s6 =	ssub.f32 $1.500000000e+00, s6;
	_ =	sdelay $0x1  }
0x182: {  	v0 =	vadd.f32 v1, v0;
	s5 =	smul.f32 s6, s5;
	_ =	sdelay $0x1  }
0x183: {  	(v2sf) =	vpush v0, $0x0;
	s6 =	smul.f32 s5, s4;
	_ =	sdelay $0x1  }
0x184: {  	s6 =	smul.f32 s6, s5;
	_ =	sdelay $0x1  }
0x185: {  	s6 =	ssub.f32 $1.500000000e+00, s6;
	_ =	sdelay $0x1  }
0x186: {  	s5 =	smul.f32 s6, s5;
	_ =	sdelay $0x1  }
0x187: {  	s4 =	smul.f32 s5, s4;
	_ =	sdelay $0x1  }
0x188: {  	s4 =	smul.f32 s4, s5;
	_ =	sdelay $0x1  }
0x189: {  	s4 =	ssub.f32 $1.500000000e+00, s4;
	_ =	sdelay $0x1  }
0x18a: {  	s4 =	smul.f32 s4, s5  }
0x18b: {  	s29 =	spop (v2sf)  }
0x18c: {  	s4 =	smul.f32 s4, s29;
	_ =	sdelay $0x1  }
0x18d: {  	s4 =	smul.f32 $6.250000000e-02, s4;
	_ =	sdelay $0x1  }
0x18e: {  	v63 =	vmov s4  }
0x18f: {  	s30 =	simm.s32 $0x3200;
	s31 =	simm.s32 $0xB;
	[tilespmem:$0x3200] =	vst v63  }
0x190: {  	[spmem:s8] =	stream.linear.scatter [tilespmem:s30], [sflag:$0xB], $0x10, $0x38;
	[tilespmem:$0x3390] =	vst v63  }
0x191: {  	_ =	swait.ge [sflag:s31], $0x10  }
0x192: {  	[sflag:s31] =	ssyncset.done $0x0  }
0x193: {  	[sflag:s31] =	ssyncadd.s32 $0xFFFFFFF0  }
0x194: {  	p0 =	sne.s32 s3, $0x0;
	[bflag:$0x0] =	sbarrier.arrive $0xFFFF  }
0x195: {  	_ =	sfence.sel @p0 $0x180000  }
0x196: {  	[bflag:$0x0] =	sbarrier.arrive @p0 $0xFFFF  }
0x197: {  	_ =	strace @p0 $0x90000047  }
0x198: {  	s3 =	simm.s32 @!p0 $0x3280;
	[bflag:$0x2] =	sbarrier.arrive @p0 $0xFFFF  }
0x199: {  	[tilespmem:s3], [sflag:$0xB] =	stream.linear.gather @!p0 [spmem:s2], $0x100, $0x38;
	[tilespmem:$0x3390] =	vst v63  }
0x19a: {  	s2 =	simm.s32 @!p0 $0xB  }
0x19b: {  	_ =	swait.ge @!p0 [sflag:s2], $0x100  }
0x19c: {  	[sflag:s2] =	ssyncset.done @!p0 $0x0  }
0x19d: {  	[sflag:s2] =	ssyncadd.s32 @!p0 $0xFFFFFF00  }
0x19e: {  	v0 =	vld @!p0 [tilespmem:$0x3280]  }
0x19f: {  	v1 =	vld @!p0 [tilespmem:$0x3290];
	_ =	sdelay $0x1  }
0x1a0: {  	v2 =	vld @!p0 [tilespmem:$0x32A0];
	_ =	sdelay $0x1  }
0x1a1: {  	v3 =	vld @!p0 [tilespmem:$0x32B0]  }
0x1a2: {  	v0 =	vadd.f32 @!p0 v1, v0  }
0x1a3: {  	v1 =	vld @!p0 [tilespmem:$0x32C0]  }
0x1a4: {  	v0 =	vadd.f32 @!p0 v2, v0  }
0x1a5: {  	v2 =	vld @!p0 [tilespmem:$0x32D0]  }
0x1a6: {  	v0 =	vadd.f32 @!p0 v3, v0  }
0x1a7: {  	v3 =	vld @!p0 [tilespmem:$0x32E0]  }
0x1a8: {  	v0 =	vadd.f32 @!p0 v1, v0  }
0x1a9: {  	v1 =	vld @!p0 [tilespmem:$0x32F0]  }
0x1aa: {  	v0 =	vadd.f32 @!p0 v2, v0  }
0x1ab: {  	v2 =	vld @!p0 [tilespmem:$0x3300]  }
0x1ac: {  	v0 =	vadd.f32 @!p0 v3, v0  }
0x1ad: {  	v3 =	vld @!p0 [tilespmem:$0x3310]  }
0x1ae: {  	v0 =	vadd.f32 @!p0 v1, v0  }
0x1af: {  	v1 =	vld @!p0 [tilespmem:$0x3320]  }
0x1b0: {  	v0 =	vadd.f32 @!p0 v2, v0  }
0x1b1: {  	v2 =	vld @!p0 [tilespmem:$0x3330]  }
0x1b2: {  	v0 =	vadd.f32 @!p0 v3, v0  }
0x1b3: {  	v3 =	vld @!p0 [tilespmem:$0x3340]  }
0x1b4: {  	v0 =	vadd.f32 @!p0 v1, v0  }
0x1b5: {  	v1 =	vld @!p0 [tilespmem:$0x3350]  }
0x1b6: {  	v0 =	vadd.f32 @!p0 v2, v0  }
0x1b7: {  	v2 =	vld @!p0 [tilespmem:$0x3360]  }
0x1b8: {  	v0 =	vadd.f32 @!p0 v3, v0  }
0x1b9: {  	v3 =	vld @!p0 [tilespmem:$0x3370]  }
0x1ba: {  	v0 =	vadd.f32 @!p0 v1, v0;
	_ =	sdelay $0x1  }
0x1bb: {  	v0 =	vadd.f32 @!p0 v2, v0;
	_ =	sdelay $0x1  }
0x1bc: {  	v0 =	vadd.f32 @!p0 v3, v0;
	_ =	sdelay $0x1  }
0x1bd: {  	s4 =	simm.s32 @!p0 $0x3200;
	s3 =	simm.s32 @!p0 $0x0;
	[tilespmem:$0x3200] =	vst @!p0 v0  }
0x1be: {  	[hbm4b:s1+s3] =	stream.linear.scatter @!p0 [tilespmem:s4], [sflag:$0xB], $0x80, $0x38;
	[tilespmem:$0x3390] =	vst v63  }
0x1bf: {  	_ =	swait.ge @!p0 [sflag:s2], $0x80  }
0x1c0: {  	[sflag:s2] =	ssyncset.done @!p0 $0x0  }
0x1c1: {  	[sflag:s2] =	ssyncadd.s32 @!p0 $0xFFFFFF80  }
0x1c2: {  	_ =	sfence.sel @!p0 $0x180000  }
0x1c3: {  	[bflag:$0x0] =	sbarrier.arrive @!p0 $0xFFFF  }
0x1c4: {  	_ =	strace @!p0 $0x90000047  }
0x1c5: {  	s0 =	sadd.s32 @!p0 $0x100000, s0;
	[bflag:$0x2] =	sbarrier.arrive @!p0 $0xFFFF  }
0x1c6: {  	[sflag:s0] =	ssyncadd.tile.s32 @!p0 $0x1;
	_ =	shalt  }
.LBB2_5:
.Ltmp24:
0x1c7: {  	(pc) =	sbr.rel .LBB2_11-.Ltmp24, $4  }
0x1c8: {  	v0 =	vimm.f32 $0.0e+00;
	v4 =	vimm.f32 $0.0e+00;
	v9 =	vimm.f32 $0.0e+00  }
0x1c9: {  	v1 =	vimm.f32 $0.0e+00;
	v5 =	vimm.f32 $0.0e+00;
	v10 =	vimm.f32 $0.0e+00  }
0x1ca: {  	v3 =	vimm.f32 $0.0e+00;
	v7 =	vimm.f32 $0.0e+00;
	v11 =	vimm.f32 $0.0e+00  }
0x1cb: {  	v2 =	vimm.f32 $0.0e+00;
	v8 =	vimm.f32 $0.0e+00;
	v6 =	vimm.f32 $0.0e+00  }
.LBB2_3:
.Ltmp25:
0x1cc: {  	(pc) =	sbr.rel .LBB2_10-.Ltmp25, $4  }
0x1cd: {  	v5 =	vimm.f32 $0.0e+00;
	v7 =	vimm.f32 $0.0e+00;
	v12 =	vimm.f32 $0.0e+00  }
0x1ce: {  	v13 =	vimm.f32 $0.0e+00;
	v15 =	vimm.f32 $0.0e+00;
	v16 =	vimm.f32 $0.0e+00  }
0x1cf: {  	v1 =	vimm.f32 $0.0e+00;
	v3 =	vimm.f32 $0.0e+00;
	v6 =	vimm.f32 $0.0e+00  }
0x1d0: {  	v9 =	vimm.f32 $0.0e+00;
	v10 =	vimm.f32 $0.0e+00;
	v11 =	vimm.f32 $0.0e+00  }
.LBB2_7:
.Ltmp26:
0x1d1: {  	(pc) =	sbr.rel .LBB2_10-.Ltmp26, $3  }
0x1d2: {  	_ =	sdelay $0x1  }
0x1d3: {  	v5 =	vimm.f32 $0.0e+00;
	v7 =	vimm.f32 $0.0e+00;
	v12 =	vimm.f32 $0.0e+00;
	v18 =	vmovc v22  }
0x1d4: {  	v13 =	vimm.f32 $0.0e+00;
	v15 =	vimm.f32 $0.0e+00;
	v16 =	vimm.f32 $0.0e+00;
	v17 =	vmovc v25;
	v14 =	vmovc v23  }
.LBB2_15:
.Ltmp27:
0x1d5: {  	(pc) =	sbr.rel .LBB2_20-.Ltmp27, $3  }
0x1d6: {  	_ =	sdelay $0x1  }
0x1d7: {  	v15 =	vmov v9  }
0x1d8: {  	v17 =	vmovc v1;
	v18 =	vmovc v10;
	v20 =	vmov v3;
	v22 =	vmov v11;
	v23 =	vmov v2  }
.LBB2_25:
.Ltmp28:
0x1d9: {  	(pc) =	sbr.rel .LBB2_30-.Ltmp28, $3  }
0x1da: {  	_ =	sdelay $0x1  }
0x1db: {  	v15 =	vmov v9  }
0x1dc: {  	v17 =	vmovc v1;
	v18 =	vmovc v10;
	v20 =	vmov v3;
	v22 =	vmov v11;
	v23 =	vmov v2  }
.LBB2_35:
.Ltmp29:
0x1dd: {  	(pc) =	sbr.rel .LBB2_40-.Ltmp29, $3  }
0x1de: {  	_ =	sdelay $0x1  }
0x1df: {  	v15 =	vmov v9  }
0x1e0: {  	v17 =	vmovc v1;
	v18 =	vmovc v10;
	v20 =	vmov v3;
	v22 =	vmov v11;
	v23 =	vmov v2  }
.LBB2_42:
.Ltmp30:
0x1e1: {  	(pc) =	sbr.rel .LBB2_20-.Ltmp30, $3  }
0x1e2: {  	_ =	sdelay $0x1  }
0x1e3: {  	v21 =	vmovc v27;
	v15 =	vmov v9;
	v17 =	vmov v1;
	v18 =	vmov v10  }
0x1e4: {  	v20 =	vmovc v3;
	v22 =	vmovc v11;
	v23 =	vmov v2;
	v19 =	vmov v26;
	v16 =	vmov v24  }
.LBB2_43:
.Ltmp31:
0x1e5: {  	(pc) =	sbr.rel .LBB2_30-.Ltmp31, $3  }
0x1e6: {  	_ =	sdelay $0x1  }
0x1e7: {  	v21 =	vmovc v27;
	v15 =	vmov v9;
	v17 =	vmov v1;
	v18 =	vmov v10  }
0x1e8: {  	v20 =	vmovc v3;
	v22 =	vmovc v11;
	v23 =	vmov v2;
	v19 =	vmov v26;
	v16 =	vmov v24  }
.LBB2_44:
.Ltmp32:
0x1e9: {  	(pc) =	sbr.rel .LBB2_40-.Ltmp32, $3  }
0x1ea: {  	_ =	sdelay $0x1  }
0x1eb: {  	v21 =	vmovc v27;
	v15 =	vmov v9;
	v17 =	vmov v1;
	v18 =	vmov v10  }
0x1ec: {  	v20 =	vmovc v3;
	v22 =	vmovc v11;
	v23 =	vmov v2;
	v19 =	vmov v26;
	v16 =	vmov v24  }
.Lfunc_end2:
_tile_overlayer_lowered:
.L_overlay_start_2:
0x1ed: {  	(tag) =	ssettag $0x2  }
0x1ee: {  	s0 =	rddreg [dreg:$0x0];
	s2 =	stileid.u32  }
0x1ef: {  	s1 =	rddreg [dreg:$0x1];
	p0 =	sne.s32 s2, $0x0  }
0x1f0: {  	s3 =	rddreg [dreg:$0x2];
	[bflag:$0x3] =	sbarrier.arrive $0xFFFF;
	s2 =	simm.s32 @!p0 $0x1C0B  }
0x1f1: {  	[timem:s3], [sflag:s2] =	dma.local @!p0 [hbm:s0], s1  }
0x1f2: {  	s0 =	simm.s32 @!p0 $0xB  }
0x1f3: {  	_ =	swait.ge @!p0 [sflag:s0], s1  }
0x1f4: {  	s1 =	ssub.s32 @!p0 $0x0, s1;
	[sflag:s0] =	ssyncset.done @!p0 $0x0  }
0x1f5: {  	[sflag:s0] =	ssyncadd.s32 @!p0 s1  }
0x1f6: {  	[bflag:$0x3] =	sbarrier.arrive $0xFFFF  }
0x1f7: {  	_ =	shalt  }

</sc_bundles>
